<compile_context>
chip_gen: v7x
topology: tpu7x:2x2x1
jax: 0.10.2.dev20260603
libtpu: 0.0.44.dev20260713+nightly
codegen_flags: <defaults>
</compile_context>

<pallas_src>
import functools

import jax
import jax.numpy as jnp
from jax import lax
from jax.experimental import pallas as pl
from jax.experimental.pallas import tpu as pltpu
from jax.experimental.pallas import tpu_sc as plsc

N = 10000
E = 320000
D = 128
H = 128
C = 40
CP = 48
DH = 64

NC = 2
NS = 16
K = 80
EPS = E // NS
NCH1 = EPS // K
EPW = E // (NC * NS)
NCH2 = EPW // K
NP = 10240
RPT = NP // NS

BM = 400
GRID = N // BM

_mesh = plsc.VectorSubcoreMesh(core_axis_name="c", subcore_axis_name="s")


@functools.partial(
    pl.kernel, mesh=_mesh,
    compiler_params=pltpu.CompilerParams(use_tc_tiling_on_sc=False),
    out_type=[jax.ShapeDtypeStruct((NC, NP, DH), jnp.float32),
              jax.ShapeDtypeStruct((NP, 16), jnp.float32)],
    scratch_types=[
        pltpu.VMEM((K,), jnp.int32),
        pltpu.VMEM((K,), jnp.int32),
        pltpu.VMEM((K, DH), jnp.float32),
        pltpu.VMEM((RPT, DH), jnp.float32),
        pltpu.VMEM_SHARED((NP, DH), jnp.float32),
        pltpu.SemaphoreType.DMA,
        pltpu.VMEM((K, 16), jnp.float32),
        pltpu.VMEM((RPT, 16), jnp.float32),
        pltpu.VMEM_SHARED((NP, 16), jnp.float32),
    ])
def _seg_sum_l1(pa_hbm, pb_hbm, src_hbm, dst_hbm, zrow_hbm, z16_hbm, ones_hbm,
                out_hbm, deg_hbm, src_v, dst_v, rows_v, zbuf, acc, sem,
                ones_v, zbuf16, dacc):
  c = lax.axis_index("c")
  s = lax.axis_index("s")

  pltpu.sync_copy(zrow_hbm, zbuf)
  pltpu.sync_copy(zbuf, acc.at[pl.ds(s * RPT, RPT)])
  pltpu.sync_copy(ones_hbm, ones_v)
  pltpu.sync_copy(z16_hbm, zbuf16)
  pltpu.sync_copy(zbuf16, dacc.at[pl.ds(s * RPT, RPT)])
  plsc.subcore_barrier()

  def body(i, _):
    base = s * EPS + i * K
    pltpu.sync_copy(src_hbm.at[pl.ds(base, K)], src_v)
    pltpu.sync_copy(dst_hbm.at[pl.ds(base, K)], dst_v)

    @pl.when(c == 0)
    def _():
      pltpu.async_copy(pa_hbm.at[src_v], rows_v, sem).wait()

    @pl.when(c == 1)
    def _():
      pltpu.async_copy(pb_hbm.at[src_v], rows_v, sem).wait()

    pltpu.sync_copy(rows_v, acc.at[dst_v], add=True)

    @pl.when(c == 0)
    def _():
      pltpu.sync_copy(ones_v, dacc.at[dst_v], add=True)

    return _

  lax.fori_loop(0, NCH1, body, None)
  plsc.subcore_barrier()

  pltpu.sync_copy(acc.at[pl.ds(s * RPT, RPT)], zbuf)
  pltpu.sync_copy(zbuf, out_hbm.at[c, pl.ds(s * RPT, RPT)])

  @pl.when(c == 0)
  def _():
    pltpu.sync_copy(dacc.at[pl.ds(s * RPT, RPT)], zbuf16)
    pltpu.sync_copy(zbuf16, deg_hbm.at[pl.ds(s * RPT, RPT)])


@functools.partial(
    pl.kernel, mesh=_mesh,
    compiler_params=pltpu.CompilerParams(use_tc_tiling_on_sc=False),
    out_type=[jax.ShapeDtypeStruct((NC, NP, CP), jnp.float32)],
    scratch_types=[
        pltpu.VMEM((K,), jnp.int32),
        pltpu.VMEM((K,), jnp.int32),
        pltpu.VMEM((K, CP), jnp.float32),
        pltpu.VMEM((RPT, CP), jnp.float32),
        pltpu.VMEM_SHARED((NP, CP), jnp.float32),
        pltpu.SemaphoreType.DMA,
    ])
def _seg_sum_l2(p_hbm, src_hbm, dst_hbm, zrow_hbm,
                out_hbm, src_v, dst_v, rows_v, zbuf, acc, sem):
  c = lax.axis_index("c")
  s = lax.axis_index("s")
  wid = c * NS + s

  pltpu.sync_copy(zrow_hbm, zbuf)
  pltpu.sync_copy(zbuf, acc.at[pl.ds(s * RPT, RPT)])
  plsc.subcore_barrier()

  def body(i, _):
    base = wid * EPW + i * K
    pltpu.sync_copy(src_hbm.at[pl.ds(base, K)], src_v)
    pltpu.sync_copy(dst_hbm.at[pl.ds(base, K)], dst_v)
    pltpu.async_copy(p_hbm.at[src_v], rows_v, sem).wait()
    pltpu.sync_copy(rows_v, acc.at[dst_v], add=True)
    return _

  lax.fori_loop(0, NCH2, body, None)
  plsc.subcore_barrier()

  pltpu.sync_copy(acc.at[pl.ds(s * RPT, RPT)], zbuf)
  pltpu.sync_copy(zbuf, out_hbm.at[c, pl.ds(s * RPT, RPT)])


def _proj_body(x_ref, w_ref, oa_ref, ob_ref):
  p = jnp.dot(x_ref[...], w_ref[...], preferred_element_type=jnp.float32)
  oa_ref[...] = p[:, :DH]
  ob_ref[...] = p[:, DH:]


def _combine1_body(x_ref, a0_ref, a1_ref, d_ref, w1r_ref, b1_ref,
                   w2l_ref, h_ref, p2_ref):
  rdeg = 1.0 / jnp.maximum(d_ref[:, 0:1], 1.0)
  mean = jnp.concatenate([a0_ref[...], a1_ref[...]], axis=1) * rdeg
  h = jnp.maximum(
      mean + jnp.dot(x_ref[...], w1r_ref[...],
                     preferred_element_type=jnp.float32) + b1_ref[...], 0.0)
  h_ref[...] = h
  p2_ref[...] = jnp.dot(h, w2l_ref[...], preferred_element_type=jnp.float32)


def _combine2_body(h_ref, a0_ref, a1_ref, d_ref, w2r_ref, b2_ref, o_ref):
  rdeg = 1.0 / jnp.maximum(d_ref[:, 0:1], 1.0)
  mean = (a0_ref[...] + a1_ref[...]) * rdeg
  o_ref[...] = mean + jnp.dot(h_ref[...], w2r_ref[...],
                              preferred_element_type=jnp.float32) + b2_ref[...]


def _row_spec(w):
  return pl.BlockSpec((BM, w), lambda i: (i, 0))


def _full_spec(r, c_):
  return pl.BlockSpec((r, c_), lambda i: (0, 0))


_proj = pl.pallas_call(
    _proj_body,
    grid=(GRID,),
    in_specs=[_row_spec(D), _full_spec(D, H)],
    out_specs=[_row_spec(DH), _row_spec(DH)],
    out_shape=[jax.ShapeDtypeStruct((N, DH), jnp.float32),
               jax.ShapeDtypeStruct((N, DH), jnp.float32)],
)

_combine1 = pl.pallas_call(
    _combine1_body,
    grid=(GRID,),
    in_specs=[_row_spec(D), _row_spec(DH), _row_spec(DH), _row_spec(16),
              _full_spec(D, H), _full_spec(1, H), _full_spec(H, CP)],
    out_specs=[_row_spec(H), _row_spec(CP)],
    out_shape=[jax.ShapeDtypeStruct((N, H), jnp.float32),
               jax.ShapeDtypeStruct((N, CP), jnp.float32)],
)

_combine2 = pl.pallas_call(
    _combine2_body,
    grid=(GRID,),
    in_specs=[_row_spec(H), _row_spec(CP), _row_spec(CP), _row_spec(16),
              _full_spec(H, CP), _full_spec(1, CP)],
    out_specs=_row_spec(CP),
    out_shape=jax.ShapeDtypeStruct((N, CP), jnp.float32),
)


@jax.jit
def kernel(x, edge_index, W1_l, b1, W1_r, W2_l, b2, W2_r):
  src = edge_index[0]
  dst = edge_index[1]

  zrow = jnp.zeros((RPT, DH), jnp.float32)
  z16 = jnp.zeros((RPT, 16), jnp.float32)
  ones = jnp.ones((K, 16), jnp.float32)
  zrow2 = jnp.zeros((RPT, CP), jnp.float32)

  w2l_p = jnp.pad(W2_l, ((0, 0), (0, CP - C)))
  w2r_p = jnp.pad(W2_r, ((0, 0), (0, CP - C)))
  b2_p = jnp.pad(b2, (0, CP - C)).reshape(1, CP)
  b1_r = b1.reshape(1, H)

  p1a, p1b = _proj(x, W1_l)
  agg1, deg = _seg_sum_l1(p1a, p1b, src, dst, zrow, z16, ones)
  h, p2 = _combine1(x, agg1[0], agg1[1], deg, W1_r, b1_r, w2l_p)
  agg2, = _seg_sum_l2(p2, src, dst, zrow2)
  out = _combine2(h, agg2[0], agg2[1], deg, w2r_p, b2_p)
  return out[:, :C]

# --- scband reference (transcript-rebuilt; emitter-appended) ---
"""Pipeline reference for scband-graph-sage2-29489245454482 (READ-ONLY COPY).

The authoritative reference and input builder live on the scoring server;
editing this copy changes nothing except your own understanding.
"""

import jax, jax.numpy as jnp
import numpy as np

N = 10000
E = 320000
D = 128
H = 128
C = 40


def setup_inputs(seed: int = 0) -> dict:
    key = jax.random.key(seed)
    ks = jax.random.split(key, 9)
    x = jax.random.normal(ks[0], (N, D), dtype=jnp.float32)
    edge_index = jax.random.randint(ks[1], (2, E), 0, N, dtype=jnp.int32)
    # SAGEConv params: lin_l (applied to aggregated neighbors, has bias),
    # lin_r (applied to root node, no bias), per PyG defaults.
    W1_l = jax.random.normal(ks[2], (D, H), dtype=jnp.float32) * 0.05
    b1 = jnp.zeros((H,), dtype=jnp.float32)
    W1_r = jax.random.normal(ks[3], (D, H), dtype=jnp.float32) * 0.05
    W2_l = jax.random.normal(ks[4], (H, C), dtype=jnp.float32) * 0.05
    b2 = jnp.zeros((C,), dtype=jnp.float32)
    W2_r = jax.random.normal(ks[5], (H, C), dtype=jnp.float32) * 0.05
    return {
        'x': x,
        'edge_index': edge_index,
        'W1_l': W1_l,
        'b1': b1,
        'W1_r': W1_r,
        'W2_l': W2_l,
        'b2': b2,
        'W2_r': W2_r,
    }


def _sage_conv(x, edge_index, W_l, b_l, W_r):
    # PyG SAGEConv with mean aggregation:
    # out = lin_l(mean_{j in N(i)} x_j) + lin_r(x_i)
    src = edge_index[0]
    dst = edge_index[1]
    msgs = x[src]  # gather (SparseCore-friendly)
    agg = jax.ops.segment_sum(msgs, dst, num_segments=x.shape[0])
    deg = jax.ops.segment_sum(jnp.ones((edge_index.shape[1],), dtype=x.dtype), dst,
                              num_segments=x.shape[0])
    mean = agg / jnp.maximum(deg, 1.0)[:, None]
    return mean @ W_l + b_l + x @ W_r


def reference(x, edge_index, W1_l, b1, W1_r, W2_l, b2, W2_r):
    h = _sage_conv(x, edge_index, W1_l, b1, W1_r)
    h = jax.nn.relu(h)
    # F.dropout(p=0.3, training=self.training) is identity in eval mode
    out = _sage_conv(h, edge_index, W2_l, b2, W2_r)
    return out

if __name__ == "__main__":
    import jax
    _d = setup_inputs()
    print(jax.jit(kernel)(*tuple(_d.values())))

</pallas_src>

<mosaic_0001>
#map = affine_map<(d0, d1) -> (0, 0)>
#map1 = affine_map<(d0, d1) -> (0)>
#map2 = affine_map<(d0, d1) -> (0, 0, 0)>
module attributes {stable_mosaic.version = 14 : i64} {
  func.func @_seg_sum_l1(%arg0: i32, %arg1: i32, %arg2: memref<10000x64xf32, #tpu.memory_space<hbm>>, %arg3: memref<10000x64xf32, #tpu.memory_space<hbm>>, %arg4: memref<320000xi32, #tpu.memory_space<hbm>>, %arg5: memref<320000xi32, #tpu.memory_space<hbm>>, %arg6: memref<640x64xf32, #tpu.memory_space<hbm>>, %arg7: memref<640x16xf32, #tpu.memory_space<hbm>>, %arg8: memref<80x16xf32, #tpu.memory_space<hbm>>, %arg9: memref<2x10240x64xf32, #tpu.memory_space<hbm>>, %arg10: memref<10240x16xf32, #tpu.memory_space<hbm>>, %arg11: memref<80xi32, #tpu.memory_space<vmem>>, %arg12: memref<80xi32, #tpu.memory_space<vmem>>, %arg13: memref<80x64xf32, #tpu.memory_space<vmem>>, %arg14: memref<640x64xf32, #tpu.memory_space<vmem>>, %arg15: memref<10240x64xf32, #tpu.memory_space<vmem_shared>>, %arg16: memref<!tpu.dma_semaphore, #tpu.memory_space<semaphore_mem>>, %arg17: memref<80x16xf32, #tpu.memory_space<vmem>>, %arg18: memref<640x16xf32, #tpu.memory_space<vmem>>, %arg19: memref<10240x16xf32, #tpu.memory_space<vmem_shared>>) attributes {dimension_semantics = [#tpu.dimension_semantics<core_parallel>, #tpu.dimension_semantics<subcore_parallel>], iteration_bounds = array<i64: 2, 16>, scalar_prefetch = 0 : i64, scratch_operands = 9 : i64, tpu.core_type = #tpu.core_type<sc_vector_subcore>, window_params = [{transform_indices = #map}, {transform_indices = #map}, {transform_indices = #map1}, {transform_indices = #map1}, {transform_indices = #map}, {transform_indices = #map}, {transform_indices = #map}, {transform_indices = #map2}, {transform_indices = #map}]} {
    "tpu.region"() ({
      %run_scoped3A = tpu.sem_alloc : memref<!tpu.dma_semaphore, #tpu.memory_space<semaphore_mem>>
      tpu.enqueue_dma source(%arg6 : memref<640x64xf32, #tpu.memory_space<hbm>>) target(%arg14 : memref<640x64xf32, #tpu.memory_space<vmem>>) target_semaphore(%run_scoped3A : memref<!tpu.dma_semaphore, #tpu.memory_space<semaphore_mem>>)
      tpu.wait_dma2 semaphore(%run_scoped3A : memref<!tpu.dma_semaphore, #tpu.memory_space<semaphore_mem>>) src(%arg6 : memref<640x64xf32, #tpu.memory_space<hbm>>) dst(%arg14 : memref<640x64xf32, #tpu.memory_space<vmem>>)
      tpu.yield
    }) : () -> ()
    %mul3A = arith.constant 640 : i32
    %mul3A_0 = arith.muli %arg1, %mul3A : i32
    "tpu.region"() ({
      %run_scoped3A = tpu.sem_alloc : memref<!tpu.dma_semaphore, #tpu.memory_space<semaphore_mem>>
      %dma_start3A = arith.constant 0 : i32
      %dma_start3A_14 = tpu.memref_slice %arg15[%mul3A_0, %dma_start3A] : memref<10240x64xf32, #tpu.memory_space<vmem_shared>> -> memref<640x64xf32, #tpu.memory_space<vmem_shared>>
      %dma_start3A_15 = arith.constant 0 : i32
      %dma_start3A_16 = tpu.memref_slice %arg15[%mul3A_0, %dma_start3A_15] : memref<10240x64xf32, #tpu.memory_space<vmem_shared>> -> memref<640x64xf32, #tpu.memory_space<vmem_shared>>
      tpu.enqueue_dma source(%arg14 : memref<640x64xf32, #tpu.memory_space<vmem>>) target(%dma_start3A_16 : memref<640x64xf32, #tpu.memory_space<vmem_shared>>) target_semaphore(%run_scoped3A : memref<!tpu.dma_semaphore, #tpu.memory_space<semaphore_mem>>)
      %dma_wait3A = arith.constant 0 : i32
      %dma_wait3A_17 = tpu.memref_slice %arg15[%mul3A_0, %dma_wait3A] : memref<10240x64xf32, #tpu.memory_space<vmem_shared>> -> memref<640x64xf32, #tpu.memory_space<vmem_shared>>
      %dma_wait3A_18 = arith.constant 0 : i32
      %dma_wait3A_19 = tpu.memref_slice %arg15[%mul3A_0, %dma_wait3A_18] : memref<10240x64xf32, #tpu.memory_space<vmem_shared>> -> memref<640x64xf32, #tpu.memory_space<vmem_shared>>
      tpu.wait_dma2 semaphore(%run_scoped3A : memref<!tpu.dma_semaphore, #tpu.memory_space<semaphore_mem>>) src(%arg14 : memref<640x64xf32, #tpu.memory_space<vmem>>) dst(%dma_wait3A_19 : memref<640x64xf32, #tpu.memory_space<vmem_shared>>)
      tpu.yield
    }) : () -> ()
    "tpu.region"() ({
      %run_scoped3A = tpu.sem_alloc : memref<!tpu.dma_semaphore, #tpu.memory_space<semaphore_mem>>
      tpu.enqueue_dma source(%arg8 : memref<80x16xf32, #tpu.memory_space<hbm>>) target(%arg17 : memref<80x16xf32, #tpu.memory_space<vmem>>) target_semaphore(%run_scoped3A : memref<!tpu.dma_semaphore, #tpu.memory_space<semaphore_mem>>)
      tpu.wait_dma2 semaphore(%run_scoped3A : memref<!tpu.dma_semaphore, #tpu.memory_space<semaphore_mem>>) src(%arg8 : memref<80x16xf32, #tpu.memory_space<hbm>>) dst(%arg17 : memref<80x16xf32, #tpu.memory_space<vmem>>)
      tpu.yield
    }) : () -> ()
    "tpu.region"() ({
      %run_scoped3A = tpu.sem_alloc : memref<!tpu.dma_semaphore, #tpu.memory_space<semaphore_mem>>
      tpu.enqueue_dma source(%arg7 : memref<640x16xf32, #tpu.memory_space<hbm>>) target(%arg18 : memref<640x16xf32, #tpu.memory_space<vmem>>) target_semaphore(%run_scoped3A : memref<!tpu.dma_semaphore, #tpu.memory_space<semaphore_mem>>)
      tpu.wait_dma2 semaphore(%run_scoped3A : memref<!tpu.dma_semaphore, #tpu.memory_space<semaphore_mem>>) src(%arg7 : memref<640x16xf32, #tpu.memory_space<hbm>>) dst(%arg18 : memref<640x16xf32, #tpu.memory_space<vmem>>)
      tpu.yield
    }) : () -> ()
    %mul3A_1 = arith.constant 640 : i32
    %mul3A_2 = arith.muli %arg1, %mul3A_1 : i32
    "tpu.region"() ({
      %run_scoped3A = tpu.sem_alloc : memref<!tpu.dma_semaphore, #tpu.memory_space<semaphore_mem>>
      %dma_start3A = arith.constant 0 : i32
      %dma_start3A_14 = tpu.memref_slice %arg19[%mul3A_2, %dma_start3A] : memref<10240x16xf32, #tpu.memory_space<vmem_shared>> -> memref<640x16xf32, #tpu.memory_space<vmem_shared>>
      %dma_start3A_15 = arith.constant 0 : i32
      %dma_start3A_16 = tpu.memref_slice %arg19[%mul3A_2, %dma_start3A_15] : memref<10240x16xf32, #tpu.memory_space<vmem_shared>> -> memref<640x16xf32, #tpu.memory_space<vmem_shared>>
      tpu.enqueue_dma source(%arg18 : memref<640x16xf32, #tpu.memory_space<vmem>>) target(%dma_start3A_16 : memref<640x16xf32, #tpu.memory_space<vmem_shared>>) target_semaphore(%run_scoped3A : memref<!tpu.dma_semaphore, #tpu.memory_space<semaphore_mem>>)
      %dma_wait3A = arith.constant 0 : i32
      %dma_wait3A_17 = tpu.memref_slice %arg19[%mul3A_2, %dma_wait3A] : memref<10240x16xf32, #tpu.memory_space<vmem_shared>> -> memref<640x16xf32, #tpu.memory_space<vmem_shared>>
      %dma_wait3A_18 = arith.constant 0 : i32
      %dma_wait3A_19 = tpu.memref_slice %arg19[%mul3A_2, %dma_wait3A_18] : memref<10240x16xf32, #tpu.memory_space<vmem_shared>> -> memref<640x16xf32, #tpu.memory_space<vmem_shared>>
      tpu.wait_dma2 semaphore(%run_scoped3A : memref<!tpu.dma_semaphore, #tpu.memory_space<semaphore_mem>>) src(%arg18 : memref<640x16xf32, #tpu.memory_space<vmem>>) dst(%dma_wait3A_19 : memref<640x16xf32, #tpu.memory_space<vmem_shared>>)
      tpu.yield
    }) : () -> ()
    %barrier3A = arith.constant 0 : index
    tpu.barrier barrier_id(%barrier3A)
    %scan3A = arith.constant 0 : i32
    %scan3A_3 = arith.constant 250 : i32
    %scan3A_4 = arith.addi %scan3A, %scan3A_3 : i32
    %scan3A_5 = arith.constant 1 : i32
    scf.for %scan3A_14 = %scan3A to %scan3A_4 step %scan3A_5  : i32 {
      %mul3A_15 = arith.constant 20000 : i32
      %mul3A_16 = arith.muli %arg1, %mul3A_15 : i32
      %mul3A_17 = arith.constant 80 : i32
      %mul3A_18 = arith.muli %scan3A_14, %mul3A_17 : i32
      %add3A = arith.addi %mul3A_16, %mul3A_18 : i32
      "tpu.region"() ({
        %run_scoped3A = tpu.sem_alloc : memref<!tpu.dma_semaphore, #tpu.memory_space<semaphore_mem>>
        %dma_start3A = tpu.memref_slice %arg4[%add3A] : memref<320000xi32, #tpu.memory_space<hbm>> -> memref<80xi32, #tpu.memory_space<hbm>>
        %dma_start3A_34 = tpu.memref_slice %arg4[%add3A] : memref<320000xi32, #tpu.memory_space<hbm>> -> memref<80xi32, #tpu.memory_space<hbm>>
        tpu.enqueue_dma source(%dma_start3A_34 : memref<80xi32, #tpu.memory_space<hbm>>) target(%arg11 : memref<80xi32, #tpu.memory_space<vmem>>) target_semaphore(%run_scoped3A : memref<!tpu.dma_semaphore, #tpu.memory_space<semaphore_mem>>)
        %dma_wait3A = tpu.memref_slice %arg4[%add3A] : memref<320000xi32, #tpu.memory_space<hbm>> -> memref<80xi32, #tpu.memory_space<hbm>>
        %dma_wait3A_35 = tpu.memref_slice %arg4[%add3A] : memref<320000xi32, #tpu.memory_space<hbm>> -> memref<80xi32, #tpu.memory_space<hbm>>
        tpu.wait_dma2 semaphore(%run_scoped3A : memref<!tpu.dma_semaphore, #tpu.memory_space<semaphore_mem>>) src(%dma_wait3A_35 : memref<80xi32, #tpu.memory_space<hbm>>) dst(%arg11 : memref<80xi32, #tpu.memory_space<vmem>>)
        tpu.yield
      }) : () -> ()
      "tpu.region"() ({
        %run_scoped3A = tpu.sem_alloc : memref<!tpu.dma_semaphore, #tpu.memory_space<semaphore_mem>>
        %dma_start3A = tpu.memref_slice %arg5[%add3A] : memref<320000xi32, #tpu.memory_space<hbm>> -> memref<80xi32, #tpu.memory_space<hbm>>
        %dma_start3A_34 = tpu.memref_slice %arg5[%add3A] : memref<320000xi32, #tpu.memory_space<hbm>> -> memref<80xi32, #tpu.memory_space<hbm>>
        tpu.enqueue_dma source(%dma_start3A_34 : memref<80xi32, #tpu.memory_space<hbm>>) target(%arg12 : memref<80xi32, #tpu.memory_space<vmem>>) target_semaphore(%run_scoped3A : memref<!tpu.dma_semaphore, #tpu.memory_space<semaphore_mem>>)
        %dma_wait3A = tpu.memref_slice %arg5[%add3A] : memref<320000xi32, #tpu.memory_space<hbm>> -> memref<80xi32, #tpu.memory_space<hbm>>
        %dma_wait3A_35 = tpu.memref_slice %arg5[%add3A] : memref<320000xi32, #tpu.memory_space<hbm>> -> memref<80xi32, #tpu.memory_space<hbm>>
        tpu.wait_dma2 semaphore(%run_scoped3A : memref<!tpu.dma_semaphore, #tpu.memory_space<semaphore_mem>>) src(%dma_wait3A_35 : memref<80xi32, #tpu.memory_space<hbm>>) dst(%arg12 : memref<80xi32, #tpu.memory_space<vmem>>)
        tpu.yield
      }) : () -> ()
      %eq3A_19 = arith.constant 0 : i32
      %eq3A_20 = arith.cmpi eq, %arg0, %eq3A_19 : i32
      %convert_element_type3A_21 = arith.extui %eq3A_20 : i1 to i32
      %cond3A_22 = arith.constant 0 : i32
      %cond3A_23 = arith.cmpi ne, %convert_element_type3A_21, %cond3A_22 : i32
      scf.if %cond3A_23 {
        %dma_start3A = arith.constant 0 : i32
        %dma_start3A_34 = arith.constant 0 : i32
        %dma_start3A_35 = tpu.memref_slice %arg2[%dma_start3A, %dma_start3A_34] : memref<10000x64xf32, #tpu.memory_space<hbm>> -> memref<10000x64xf32, #tpu.memory_space<hbm>>
        tpu.enqueue_indirect_dma source(%dma_start3A_35 : memref<10000x64xf32, #tpu.memory_space<hbm>>) target(%arg13 : memref<80x64xf32, #tpu.memory_space<vmem>>) offsets(%arg11 : memref<80xi32, #tpu.memory_space<vmem>>) semaphore(%arg16 : memref<!tpu.dma_semaphore, #tpu.memory_space<semaphore_mem>>)
        %dma_wait3A = arith.constant 0 : i32
        %dma_wait3A_36 = arith.constant 0 : i32
        %dma_wait3A_37 = tpu.memref_slice %arg2[%dma_wait3A, %dma_wait3A_36] : memref<10000x64xf32, #tpu.memory_space<hbm>> -> memref<10000x64xf32, #tpu.memory_space<hbm>>
        tpu.wait_indirect_dma semaphore(%arg16 : memref<!tpu.dma_semaphore, #tpu.memory_space<semaphore_mem>>) src(%dma_wait3A_37 : memref<10000x64xf32, #tpu.memory_space<hbm>>) dst(%arg13 : memref<80x64xf32, #tpu.memory_space<vmem>>)
      } else {
      }
      %eq3A_24 = arith.constant 1 : i32
      %eq3A_25 = arith.cmpi eq, %arg0, %eq3A_24 : i32
      %convert_element_type3A_26 = arith.extui %eq3A_25 : i1 to i32
      %cond3A_27 = arith.constant 0 : i32
      %cond3A_28 = arith.cmpi ne, %convert_element_type3A_26, %cond3A_27 : i32
      scf.if %cond3A_28 {
        %dma_start3A = arith.constant 0 : i32
        %dma_start3A_34 = arith.constant 0 : i32
        %dma_start3A_35 = tpu.memref_slice %arg3[%dma_start3A, %dma_start3A_34] : memref<10000x64xf32, #tpu.memory_space<hbm>> -> memref<10000x64xf32, #tpu.memory_space<hbm>>
        tpu.enqueue_indirect_dma source(%dma_start3A_35 : memref<10000x64xf32, #tpu.memory_space<hbm>>) target(%arg13 : memref<80x64xf32, #tpu.memory_space<vmem>>) offsets(%arg11 : memref<80xi32, #tpu.memory_space<vmem>>) semaphore(%arg16 : memref<!tpu.dma_semaphore, #tpu.memory_space<semaphore_mem>>)
        %dma_wait3A = arith.constant 0 : i32
        %dma_wait3A_36 = arith.constant 0 : i32
        %dma_wait3A_37 = tpu.memref_slice %arg3[%dma_wait3A, %dma_wait3A_36] : memref<10000x64xf32, #tpu.memory_space<hbm>> -> memref<10000x64xf32, #tpu.memory_space<hbm>>
        tpu.wait_indirect_dma semaphore(%arg16 : memref<!tpu.dma_semaphore, #tpu.memory_space<semaphore_mem>>) src(%dma_wait3A_37 : memref<10000x64xf32, #tpu.memory_space<hbm>>) dst(%arg13 : memref<80x64xf32, #tpu.memory_space<vmem>>)
      } else {
      }
      "tpu.region"() ({
        %run_scoped3A = tpu.sem_alloc : memref<!tpu.dma_semaphore, #tpu.memory_space<semaphore_mem>>
        %dma_start3A = arith.constant 0 : i32
        %dma_start3A_34 = arith.constant 0 : i32
        %dma_start3A_35 = tpu.memref_slice %arg15[%dma_start3A, %dma_start3A_34] : memref<10240x64xf32, #tpu.memory_space<vmem_shared>> -> memref<10240x64xf32, #tpu.memory_space<vmem_shared>>
        tpu.enqueue_indirect_dma source(%arg13 : memref<80x64xf32, #tpu.memory_space<vmem>>) target(%dma_start3A_35 : memref<10240x64xf32, #tpu.memory_space<vmem_shared>>) offsets(%arg12 : memref<80xi32, #tpu.memory_space<vmem>>) semaphore(%run_scoped3A : memref<!tpu.dma_semaphore, #tpu.memory_space<semaphore_mem>>) {add = true}
        %dma_wait3A = arith.constant 0 : i32
        %dma_wait3A_36 = arith.constant 0 : i32
        %dma_wait3A_37 = tpu.memref_slice %arg15[%dma_wait3A, %dma_wait3A_36] : memref<10240x64xf32, #tpu.memory_space<vmem_shared>> -> memref<10240x64xf32, #tpu.memory_space<vmem_shared>>
        tpu.wait_indirect_dma semaphore(%run_scoped3A : memref<!tpu.dma_semaphore, #tpu.memory_space<semaphore_mem>>) src(%arg13 : memref<80x64xf32, #tpu.memory_space<vmem>>) dst(%dma_wait3A_37 : memref<10240x64xf32, #tpu.memory_space<vmem_shared>>)
        tpu.yield
      }) : () -> ()
      %eq3A_29 = arith.constant 0 : i32
      %eq3A_30 = arith.cmpi eq, %arg0, %eq3A_29 : i32
      %convert_element_type3A_31 = arith.extui %eq3A_30 : i1 to i32
      %cond3A_32 = arith.constant 0 : i32
      %cond3A_33 = arith.cmpi ne, %convert_element_type3A_31, %cond3A_32 : i32
      scf.if %cond3A_33 {
        "tpu.region"() ({
          %run_scoped3A = tpu.sem_alloc : memref<!tpu.dma_semaphore, #tpu.memory_space<semaphore_mem>>
          %dma_start3A = arith.constant 0 : i32
          %dma_start3A_34 = arith.constant 0 : i32
          %dma_start3A_35 = tpu.memref_slice %arg19[%dma_start3A, %dma_start3A_34] : memref<10240x16xf32, #tpu.memory_space<vmem_shared>> -> memref<10240x16xf32, #tpu.memory_space<vmem_shared>>
          tpu.enqueue_indirect_dma source(%arg17 : memref<80x16xf32, #tpu.memory_space<vmem>>) target(%dma_start3A_35 : memref<10240x16xf32, #tpu.memory_space<vmem_shared>>) offsets(%arg12 : memref<80xi32, #tpu.memory_space<vmem>>) semaphore(%run_scoped3A : memref<!tpu.dma_semaphore, #tpu.memory_space<semaphore_mem>>) {add = true}
          %dma_wait3A = arith.constant 0 : i32
          %dma_wait3A_36 = arith.constant 0 : i32
          %dma_wait3A_37 = tpu.memref_slice %arg19[%dma_wait3A, %dma_wait3A_36] : memref<10240x16xf32, #tpu.memory_space<vmem_shared>> -> memref<10240x16xf32, #tpu.memory_space<vmem_shared>>
          tpu.wait_indirect_dma semaphore(%run_scoped3A : memref<!tpu.dma_semaphore, #tpu.memory_space<semaphore_mem>>) src(%arg17 : memref<80x16xf32, #tpu.memory_space<vmem>>) dst(%dma_wait3A_37 : memref<10240x16xf32, #tpu.memory_space<vmem_shared>>)
          tpu.yield
        }) : () -> ()
      } else {
      }
    }
    %scan3A_6 = arith.constant 250 : i32
    %barrier3A_7 = arith.constant 0 : index
    tpu.barrier barrier_id(%barrier3A_7)
    %mul3A_8 = arith.constant 640 : i32
    %mul3A_9 = arith.muli %arg1, %mul3A_8 : i32
    "tpu.region"() ({
      %run_scoped3A = tpu.sem_alloc : memref<!tpu.dma_semaphore, #tpu.memory_space<semaphore_mem>>
      %dma_start3A = arith.constant 0 : i32
      %dma_start3A_14 = tpu.memref_slice %arg15[%mul3A_9, %dma_start3A] : memref<10240x64xf32, #tpu.memory_space<vmem_shared>> -> memref<640x64xf32, #tpu.memory_space<vmem_shared>>
      %dma_start3A_15 = arith.constant 0 : i32
      %dma_start3A_16 = tpu.memref_slice %arg15[%mul3A_9, %dma_start3A_15] : memref<10240x64xf32, #tpu.memory_space<vmem_shared>> -> memref<640x64xf32, #tpu.memory_space<vmem_shared>>
      tpu.enqueue_dma source(%dma_start3A_16 : memref<640x64xf32, #tpu.memory_space<vmem_shared>>) target(%arg14 : memref<640x64xf32, #tpu.memory_space<vmem>>) target_semaphore(%run_scoped3A : memref<!tpu.dma_semaphore, #tpu.memory_space<semaphore_mem>>)
      %dma_wait3A = arith.constant 0 : i32
      %dma_wait3A_17 = tpu.memref_slice %arg15[%mul3A_9, %dma_wait3A] : memref<10240x64xf32, #tpu.memory_space<vmem_shared>> -> memref<640x64xf32, #tpu.memory_space<vmem_shared>>
      %dma_wait3A_18 = arith.constant 0 : i32
      %dma_wait3A_19 = tpu.memref_slice %arg15[%mul3A_9, %dma_wait3A_18] : memref<10240x64xf32, #tpu.memory_space<vmem_shared>> -> memref<640x64xf32, #tpu.memory_space<vmem_shared>>
      tpu.wait_dma2 semaphore(%run_scoped3A : memref<!tpu.dma_semaphore, #tpu.memory_space<semaphore_mem>>) src(%dma_wait3A_19 : memref<640x64xf32, #tpu.memory_space<vmem_shared>>) dst(%arg14 : memref<640x64xf32, #tpu.memory_space<vmem>>)
      tpu.yield
    }) : () -> ()
    %mul3A_10 = arith.constant 640 : i32
    %mul3A_11 = arith.muli %arg1, %mul3A_10 : i32
    "tpu.region"() ({
      %run_scoped3A = tpu.sem_alloc : memref<!tpu.dma_semaphore, #tpu.memory_space<semaphore_mem>>
      %dma_start3A = arith.constant 0 : i32
      %dma_start3A_14 = tpu.memref_slice %arg9[%arg0, %mul3A_11, %dma_start3A] : memref<2x10240x64xf32, #tpu.memory_space<hbm>> -> memref<1x640x64xf32, #tpu.memory_space<hbm>>
      %dma_start3A_15 = tpu.memref_squeeze %dma_start3A_14 : memref<1x640x64xf32, #tpu.memory_space<hbm>> -> memref<640x64xf32, #tpu.memory_space<hbm>>
      %dma_start3A_16 = arith.constant 0 : i32
      %dma_start3A_17 = tpu.memref_slice %arg9[%arg0, %mul3A_11, %dma_start3A_16] : memref<2x10240x64xf32, #tpu.memory_space<hbm>> -> memref<1x640x64xf32, #tpu.memory_space<hbm>>
      %dma_start3A_18 = tpu.memref_squeeze %dma_start3A_17 : memref<1x640x64xf32, #tpu.memory_space<hbm>> -> memref<640x64xf32, #tpu.memory_space<hbm>>
      tpu.enqueue_dma source(%arg14 : memref<640x64xf32, #tpu.memory_space<vmem>>) target(%dma_start3A_18 : memref<640x64xf32, #tpu.memory_space<hbm>>) target_semaphore(%run_scoped3A : memref<!tpu.dma_semaphore, #tpu.memory_space<semaphore_mem>>)
      %dma_wait3A = arith.constant 0 : i32
      %dma_wait3A_19 = tpu.memref_slice %arg9[%arg0, %mul3A_11, %dma_wait3A] : memref<2x10240x64xf32, #tpu.memory_space<hbm>> -> memref<1x640x64xf32, #tpu.memory_space<hbm>>
      %dma_wait3A_20 = tpu.memref_squeeze %dma_wait3A_19 : memref<1x640x64xf32, #tpu.memory_space<hbm>> -> memref<640x64xf32, #tpu.memory_space<hbm>>
      %dma_wait3A_21 = arith.constant 0 : i32
      %dma_wait3A_22 = tpu.memref_slice %arg9[%arg0, %mul3A_11, %dma_wait3A_21] : memref<2x10240x64xf32, #tpu.memory_space<hbm>> -> memref<1x640x64xf32, #tpu.memory_space<hbm>>
      %dma_wait3A_23 = tpu.memref_squeeze %dma_wait3A_22 : memref<1x640x64xf32, #tpu.memory_space<hbm>> -> memref<640x64xf32, #tpu.memory_space<hbm>>
      tpu.wait_dma2 semaphore(%run_scoped3A : memref<!tpu.dma_semaphore, #tpu.memory_space<semaphore_mem>>) src(%arg14 : memref<640x64xf32, #tpu.memory_space<vmem>>) dst(%dma_wait3A_23 : memref<640x64xf32, #tpu.memory_space<hbm>>)
      tpu.yield
    }) : () -> ()
    %eq3A = arith.constant 0 : i32
    %eq3A_12 = arith.cmpi eq, %arg0, %eq3A : i32
    %convert_element_type3A = arith.extui %eq3A_12 : i1 to i32
    %cond3A = arith.constant 0 : i32
    %cond3A_13 = arith.cmpi ne, %convert_element_type3A, %cond3A : i32
    scf.if %cond3A_13 {
      %mul3A_14 = arith.constant 640 : i32
      %mul3A_15 = arith.muli %arg1, %mul3A_14 : i32
      "tpu.region"() ({
        %run_scoped3A = tpu.sem_alloc : memref<!tpu.dma_semaphore, #tpu.memory_space<semaphore_mem>>
        %dma_start3A = arith.constant 0 : i32
        %dma_start3A_18 = tpu.memref_slice %arg19[%mul3A_15, %dma_start3A] : memref<10240x16xf32, #tpu.memory_space<vmem_shared>> -> memref<640x16xf32, #tpu.memory_space<vmem_shared>>
        %dma_start3A_19 = arith.constant 0 : i32
        %dma_start3A_20 = tpu.memref_slice %arg19[%mul3A_15, %dma_start3A_19] : memref<10240x16xf32, #tpu.memory_space<vmem_shared>> -> memref<640x16xf32, #tpu.memory_space<vmem_shared>>
        tpu.enqueue_dma source(%dma_start3A_20 : memref<640x16xf32, #tpu.memory_space<vmem_shared>>) target(%arg18 : memref<640x16xf32, #tpu.memory_space<vmem>>) target_semaphore(%run_scoped3A : memref<!tpu.dma_semaphore, #tpu.memory_space<semaphore_mem>>)
        %dma_wait3A = arith.constant 0 : i32
        %dma_wait3A_21 = tpu.memref_slice %arg19[%mul3A_15, %dma_wait3A] : memref<10240x16xf32, #tpu.memory_space<vmem_shared>> -> memref<640x16xf32, #tpu.memory_space<vmem_shared>>
        %dma_wait3A_22 = arith.constant 0 : i32
        %dma_wait3A_23 = tpu.memref_slice %arg19[%mul3A_15, %dma_wait3A_22] : memref<10240x16xf32, #tpu.memory_space<vmem_shared>> -> memref<640x16xf32, #tpu.memory_space<vmem_shared>>
        tpu.wait_dma2 semaphore(%run_scoped3A : memref<!tpu.dma_semaphore, #tpu.memory_space<semaphore_mem>>) src(%dma_wait3A_23 : memref<640x16xf32, #tpu.memory_space<vmem_shared>>) dst(%arg18 : memref<640x16xf32, #tpu.memory_space<vmem>>)
        tpu.yield
      }) : () -> ()
      %mul3A_16 = arith.constant 640 : i32
      %mul3A_17 = arith.muli %arg1, %mul3A_16 : i32
      "tpu.region"() ({
        %run_scoped3A = tpu.sem_alloc : memref<!tpu.dma_semaphore, #tpu.memory_space<semaphore_mem>>
        %dma_start3A = arith.constant 0 : i32
        %dma_start3A_18 = tpu.memref_slice %arg10[%mul3A_17, %dma_start3A] : memref<10240x16xf32, #tpu.memory_space<hbm>> -> memref<640x16xf32, #tpu.memory_space<hbm>>
        %dma_start3A_19 = arith.constant 0 : i32
        %dma_start3A_20 = tpu.memref_slice %arg10[%mul3A_17, %dma_start3A_19] : memref<10240x16xf32, #tpu.memory_space<hbm>> -> memref<640x16xf32, #tpu.memory_space<hbm>>
        tpu.enqueue_dma source(%arg18 : memref<640x16xf32, #tpu.memory_space<vmem>>) target(%dma_start3A_20 : memref<640x16xf32, #tpu.memory_space<hbm>>) target_semaphore(%run_scoped3A : memref<!tpu.dma_semaphore, #tpu.memory_space<semaphore_mem>>)
        %dma_wait3A = arith.constant 0 : i32
        %dma_wait3A_21 = tpu.memref_slice %arg10[%mul3A_17, %dma_wait3A] : memref<10240x16xf32, #tpu.memory_space<hbm>> -> memref<640x16xf32, #tpu.memory_space<hbm>>
        %dma_wait3A_22 = arith.constant 0 : i32
        %dma_wait3A_23 = tpu.memref_slice %arg10[%mul3A_17, %dma_wait3A_22] : memref<10240x16xf32, #tpu.memory_space<hbm>> -> memref<640x16xf32, #tpu.memory_space<hbm>>
        tpu.wait_dma2 semaphore(%run_scoped3A : memref<!tpu.dma_semaphore, #tpu.memory_space<semaphore_mem>>) src(%arg18 : memref<640x16xf32, #tpu.memory_space<vmem>>) dst(%dma_wait3A_23 : memref<640x16xf32, #tpu.memory_space<hbm>>)
        tpu.yield
      }) : () -> ()
    } else {
    }
    return
  }
}

#map = affine_map<(d0, d1) -> (0, 0)>
#map1 = affine_map<(d0, d1) -> (0)>
#map2 = affine_map<(d0, d1) -> (0, 0, 0)>
module attributes {stable_mosaic.version = 14 : i64} {
  func.func @_seg_sum_l2(%arg0: i32, %arg1: i32, %arg2: memref<10000x48xf32, #tpu.memory_space<hbm>>, %arg3: memref<320000xi32, #tpu.memory_space<hbm>>, %arg4: memref<320000xi32, #tpu.memory_space<hbm>>, %arg5: memref<640x48xf32, #tpu.memory_space<hbm>>, %arg6: memref<2x10240x48xf32, #tpu.memory_space<hbm>>, %arg7: memref<80xi32, #tpu.memory_space<vmem>>, %arg8: memref<80xi32, #tpu.memory_space<vmem>>, %arg9: memref<80x48xf32, #tpu.memory_space<vmem>>, %arg10: memref<640x48xf32, #tpu.memory_space<vmem>>, %arg11: memref<10240x48xf32, #tpu.memory_space<vmem_shared>>, %arg12: memref<!tpu.dma_semaphore, #tpu.memory_space<semaphore_mem>>) attributes {dimension_semantics = [#tpu.dimension_semantics<core_parallel>, #tpu.dimension_semantics<subcore_parallel>], iteration_bounds = array<i64: 2, 16>, scalar_prefetch = 0 : i64, scratch_operands = 6 : i64, tpu.core_type = #tpu.core_type<sc_vector_subcore>, window_params = [{transform_indices = #map}, {transform_indices = #map1}, {transform_indices = #map1}, {transform_indices = #map}, {transform_indices = #map2}]} {
    %mul3A = arith.constant 16 : i32
    %mul3A_0 = arith.muli %arg0, %mul3A : i32
    %add3A = arith.addi %mul3A_0, %arg1 : i32
    "tpu.region"() ({
      %run_scoped3A = tpu.sem_alloc : memref<!tpu.dma_semaphore, #tpu.memory_space<semaphore_mem>>
      tpu.enqueue_dma source(%arg5 : memref<640x48xf32, #tpu.memory_space<hbm>>) target(%arg10 : memref<640x48xf32, #tpu.memory_space<vmem>>) target_semaphore(%run_scoped3A : memref<!tpu.dma_semaphore, #tpu.memory_space<semaphore_mem>>)
      tpu.wait_dma2 semaphore(%run_scoped3A : memref<!tpu.dma_semaphore, #tpu.memory_space<semaphore_mem>>) src(%arg5 : memref<640x48xf32, #tpu.memory_space<hbm>>) dst(%arg10 : memref<640x48xf32, #tpu.memory_space<vmem>>)
      tpu.yield
    }) : () -> ()
    %mul3A_1 = arith.constant 640 : i32
    %mul3A_2 = arith.muli %arg1, %mul3A_1 : i32
    "tpu.region"() ({
      %run_scoped3A = tpu.sem_alloc : memref<!tpu.dma_semaphore, #tpu.memory_space<semaphore_mem>>
      %dma_start3A = arith.constant 0 : i32
      %dma_start3A_12 = tpu.memref_slice %arg11[%mul3A_2, %dma_start3A] : memref<10240x48xf32, #tpu.memory_space<vmem_shared>> -> memref<640x48xf32, #tpu.memory_space<vmem_shared>>
      %dma_start3A_13 = arith.constant 0 : i32
      %dma_start3A_14 = tpu.memref_slice %arg11[%mul3A_2, %dma_start3A_13] : memref<10240x48xf32, #tpu.memory_space<vmem_shared>> -> memref<640x48xf32, #tpu.memory_space<vmem_shared>>
      tpu.enqueue_dma source(%arg10 : memref<640x48xf32, #tpu.memory_space<vmem>>) target(%dma_start3A_14 : memref<640x48xf32, #tpu.memory_space<vmem_shared>>) target_semaphore(%run_scoped3A : memref<!tpu.dma_semaphore, #tpu.memory_space<semaphore_mem>>)
      %dma_wait3A = arith.constant 0 : i32
      %dma_wait3A_15 = tpu.memref_slice %arg11[%mul3A_2, %dma_wait3A] : memref<10240x48xf32, #tpu.memory_space<vmem_shared>> -> memref<640x48xf32, #tpu.memory_space<vmem_shared>>
      %dma_wait3A_16 = arith.constant 0 : i32
      %dma_wait3A_17 = tpu.memref_slice %arg11[%mul3A_2, %dma_wait3A_16] : memref<10240x48xf32, #tpu.memory_space<vmem_shared>> -> memref<640x48xf32, #tpu.memory_space<vmem_shared>>
      tpu.wait_dma2 semaphore(%run_scoped3A : memref<!tpu.dma_semaphore, #tpu.memory_space<semaphore_mem>>) src(%arg10 : memref<640x48xf32, #tpu.memory_space<vmem>>) dst(%dma_wait3A_17 : memref<640x48xf32, #tpu.memory_space<vmem_shared>>)
      tpu.yield
    }) : () -> ()
    %barrier3A = arith.constant 0 : index
    tpu.barrier barrier_id(%barrier3A)
    %scan3A = arith.constant 0 : i32
    %scan3A_3 = arith.constant 125 : i32
    %scan3A_4 = arith.addi %scan3A, %scan3A_3 : i32
    %scan3A_5 = arith.constant 1 : i32
    scf.for %scan3A_12 = %scan3A to %scan3A_4 step %scan3A_5  : i32 {
      %mul3A_13 = arith.constant 10000 : i32
      %mul3A_14 = arith.muli %add3A, %mul3A_13 : i32
      %mul3A_15 = arith.constant 80 : i32
      %mul3A_16 = arith.muli %scan3A_12, %mul3A_15 : i32
      %add3A_17 = arith.addi %mul3A_14, %mul3A_16 : i32
      "tpu.region"() ({
        %run_scoped3A = tpu.sem_alloc : memref<!tpu.dma_semaphore, #tpu.memory_space<semaphore_mem>>
        %dma_start3A_22 = tpu.memref_slice %arg3[%add3A_17] : memref<320000xi32, #tpu.memory_space<hbm>> -> memref<80xi32, #tpu.memory_space<hbm>>
        %dma_start3A_23 = tpu.memref_slice %arg3[%add3A_17] : memref<320000xi32, #tpu.memory_space<hbm>> -> memref<80xi32, #tpu.memory_space<hbm>>
        tpu.enqueue_dma source(%dma_start3A_23 : memref<80xi32, #tpu.memory_space<hbm>>) target(%arg7 : memref<80xi32, #tpu.memory_space<vmem>>) target_semaphore(%run_scoped3A : memref<!tpu.dma_semaphore, #tpu.memory_space<semaphore_mem>>)
        %dma_wait3A_24 = tpu.memref_slice %arg3[%add3A_17] : memref<320000xi32, #tpu.memory_space<hbm>> -> memref<80xi32, #tpu.memory_space<hbm>>
        %dma_wait3A_25 = tpu.memref_slice %arg3[%add3A_17] : memref<320000xi32, #tpu.memory_space<hbm>> -> memref<80xi32, #tpu.memory_space<hbm>>
        tpu.wait_dma2 semaphore(%run_scoped3A : memref<!tpu.dma_semaphore, #tpu.memory_space<semaphore_mem>>) src(%dma_wait3A_25 : memref<80xi32, #tpu.memory_space<hbm>>) dst(%arg7 : memref<80xi32, #tpu.memory_space<vmem>>)
        tpu.yield
      }) : () -> ()
      "tpu.region"() ({
        %run_scoped3A = tpu.sem_alloc : memref<!tpu.dma_semaphore, #tpu.memory_space<semaphore_mem>>
        %dma_start3A_22 = tpu.memref_slice %arg4[%add3A_17] : memref<320000xi32, #tpu.memory_space<hbm>> -> memref<80xi32, #tpu.memory_space<hbm>>
        %dma_start3A_23 = tpu.memref_slice %arg4[%add3A_17] : memref<320000xi32, #tpu.memory_space<hbm>> -> memref<80xi32, #tpu.memory_space<hbm>>
        tpu.enqueue_dma source(%dma_start3A_23 : memref<80xi32, #tpu.memory_space<hbm>>) target(%arg8 : memref<80xi32, #tpu.memory_space<vmem>>) target_semaphore(%run_scoped3A : memref<!tpu.dma_semaphore, #tpu.memory_space<semaphore_mem>>)
        %dma_wait3A_24 = tpu.memref_slice %arg4[%add3A_17] : memref<320000xi32, #tpu.memory_space<hbm>> -> memref<80xi32, #tpu.memory_space<hbm>>
        %dma_wait3A_25 = tpu.memref_slice %arg4[%add3A_17] : memref<320000xi32, #tpu.memory_space<hbm>> -> memref<80xi32, #tpu.memory_space<hbm>>
        tpu.wait_dma2 semaphore(%run_scoped3A : memref<!tpu.dma_semaphore, #tpu.memory_space<semaphore_mem>>) src(%dma_wait3A_25 : memref<80xi32, #tpu.memory_space<hbm>>) dst(%arg8 : memref<80xi32, #tpu.memory_space<vmem>>)
        tpu.yield
      }) : () -> ()
      %dma_start3A = arith.constant 0 : i32
      %dma_start3A_18 = arith.constant 0 : i32
      %dma_start3A_19 = tpu.memref_slice %arg2[%dma_start3A, %dma_start3A_18] : memref<10000x48xf32, #tpu.memory_space<hbm>> -> memref<10000x48xf32, #tpu.memory_space<hbm>>
      tpu.enqueue_indirect_dma source(%dma_start3A_19 : memref<10000x48xf32, #tpu.memory_space<hbm>>) target(%arg9 : memref<80x48xf32, #tpu.memory_space<vmem>>) offsets(%arg7 : memref<80xi32, #tpu.memory_space<vmem>>) semaphore(%arg12 : memref<!tpu.dma_semaphore, #tpu.memory_space<semaphore_mem>>)
      %dma_wait3A = arith.constant 0 : i32
      %dma_wait3A_20 = arith.constant 0 : i32
      %dma_wait3A_21 = tpu.memref_slice %arg2[%dma_wait3A, %dma_wait3A_20] : memref<10000x48xf32, #tpu.memory_space<hbm>> -> memref<10000x48xf32, #tpu.memory_space<hbm>>
      tpu.wait_indirect_dma semaphore(%arg12 : memref<!tpu.dma_semaphore, #tpu.memory_space<semaphore_mem>>) src(%dma_wait3A_21 : memref<10000x48xf32, #tpu.memory_space<hbm>>) dst(%arg9 : memref<80x48xf32, #tpu.memory_space<vmem>>)
      "tpu.region"() ({
        %run_scoped3A = tpu.sem_alloc : memref<!tpu.dma_semaphore, #tpu.memory_space<semaphore_mem>>
        %dma_start3A_22 = arith.constant 0 : i32
        %dma_start3A_23 = arith.constant 0 : i32
        %dma_start3A_24 = tpu.memref_slice %arg11[%dma_start3A_22, %dma_start3A_23] : memref<10240x48xf32, #tpu.memory_space<vmem_shared>> -> memref<10240x48xf32, #tpu.memory_space<vmem_shared>>
        tpu.enqueue_indirect_dma source(%arg9 : memref<80x48xf32, #tpu.memory_space<vmem>>) target(%dma_start3A_24 : memref<10240x48xf32, #tpu.memory_space<vmem_shared>>) offsets(%arg8 : memref<80xi32, #tpu.memory_space<vmem>>) semaphore(%run_scoped3A : memref<!tpu.dma_semaphore, #tpu.memory_space<semaphore_mem>>) {add = true}
        %dma_wait3A_25 = arith.constant 0 : i32
        %dma_wait3A_26 = arith.constant 0 : i32
        %dma_wait3A_27 = tpu.memref_slice %arg11[%dma_wait3A_25, %dma_wait3A_26] : memref<10240x48xf32, #tpu.memory_space<vmem_shared>> -> memref<10240x48xf32, #tpu.memory_space<vmem_shared>>
        tpu.wait_indirect_dma semaphore(%run_scoped3A : memref<!tpu.dma_semaphore, #tpu.memory_space<semaphore_mem>>) src(%arg9 : memref<80x48xf32, #tpu.memory_space<vmem>>) dst(%dma_wait3A_27 : memref<10240x48xf32, #tpu.memory_space<vmem_shared>>)
        tpu.yield
      }) : () -> ()
    }
    %scan3A_6 = arith.constant 125 : i32
    %barrier3A_7 = arith.constant 0 : index
    tpu.barrier barrier_id(%barrier3A_7)
    %mul3A_8 = arith.constant 640 : i32
    %mul3A_9 = arith.muli %arg1, %mul3A_8 : i32
    "tpu.region"() ({
      %run_scoped3A = tpu.sem_alloc : memref<!tpu.dma_semaphore, #tpu.memory_space<semaphore_mem>>
      %dma_start3A = arith.constant 0 : i32
      %dma_start3A_12 = tpu.memref_slice %arg11[%mul3A_9, %dma_start3A] : memref<10240x48xf32, #tpu.memory_space<vmem_shared>> -> memref<640x48xf32, #tpu.memory_space<vmem_shared>>
      %dma_start3A_13 = arith.constant 0 : i32
      %dma_start3A_14 = tpu.memref_slice %arg11[%mul3A_9, %dma_start3A_13] : memref<10240x48xf32, #tpu.memory_space<vmem_shared>> -> memref<640x48xf32, #tpu.memory_space<vmem_shared>>
      tpu.enqueue_dma source(%dma_start3A_14 : memref<640x48xf32, #tpu.memory_space<vmem_shared>>) target(%arg10 : memref<640x48xf32, #tpu.memory_space<vmem>>) target_semaphore(%run_scoped3A : memref<!tpu.dma_semaphore, #tpu.memory_space<semaphore_mem>>)
      %dma_wait3A = arith.constant 0 : i32
      %dma_wait3A_15 = tpu.memref_slice %arg11[%mul3A_9, %dma_wait3A] : memref<10240x48xf32, #tpu.memory_space<vmem_shared>> -> memref<640x48xf32, #tpu.memory_space<vmem_shared>>
      %dma_wait3A_16 = arith.constant 0 : i32
      %dma_wait3A_17 = tpu.memref_slice %arg11[%mul3A_9, %dma_wait3A_16] : memref<10240x48xf32, #tpu.memory_space<vmem_shared>> -> memref<640x48xf32, #tpu.memory_space<vmem_shared>>
      tpu.wait_dma2 semaphore(%run_scoped3A : memref<!tpu.dma_semaphore, #tpu.memory_space<semaphore_mem>>) src(%dma_wait3A_17 : memref<640x48xf32, #tpu.memory_space<vmem_shared>>) dst(%arg10 : memref<640x48xf32, #tpu.memory_space<vmem>>)
      tpu.yield
    }) : () -> ()
    %mul3A_10 = arith.constant 640 : i32
    %mul3A_11 = arith.muli %arg1, %mul3A_10 : i32
    "tpu.region"() ({
      %run_scoped3A = tpu.sem_alloc : memref<!tpu.dma_semaphore, #tpu.memory_space<semaphore_mem>>
      %dma_start3A = arith.constant 0 : i32
      %dma_start3A_12 = tpu.memref_slice %arg6[%arg0, %mul3A_11, %dma_start3A] : memref<2x10240x48xf32, #tpu.memory_space<hbm>> -> memref<1x640x48xf32, #tpu.memory_space<hbm>>
      %dma_start3A_13 = tpu.memref_squeeze %dma_start3A_12 : memref<1x640x48xf32, #tpu.memory_space<hbm>> -> memref<640x48xf32, #tpu.memory_space<hbm>>
      %dma_start3A_14 = arith.constant 0 : i32
      %dma_start3A_15 = tpu.memref_slice %arg6[%arg0, %mul3A_11, %dma_start3A_14] : memref<2x10240x48xf32, #tpu.memory_space<hbm>> -> memref<1x640x48xf32, #tpu.memory_space<hbm>>
      %dma_start3A_16 = tpu.memref_squeeze %dma_start3A_15 : memref<1x640x48xf32, #tpu.memory_space<hbm>> -> memref<640x48xf32, #tpu.memory_space<hbm>>
      tpu.enqueue_dma source(%arg10 : memref<640x48xf32, #tpu.memory_space<vmem>>) target(%dma_start3A_16 : memref<640x48xf32, #tpu.memory_space<hbm>>) target_semaphore(%run_scoped3A : memref<!tpu.dma_semaphore, #tpu.memory_space<semaphore_mem>>)
      %dma_wait3A = arith.constant 0 : i32
      %dma_wait3A_17 = tpu.memref_slice %arg6[%arg0, %mul3A_11, %dma_wait3A] : memref<2x10240x48xf32, #tpu.memory_space<hbm>> -> memref<1x640x48xf32, #tpu.memory_space<hbm>>
      %dma_wait3A_18 = tpu.memref_squeeze %dma_wait3A_17 : memref<1x640x48xf32, #tpu.memory_space<hbm>> -> memref<640x48xf32, #tpu.memory_space<hbm>>
      %dma_wait3A_19 = arith.constant 0 : i32
      %dma_wait3A_20 = tpu.memref_slice %arg6[%arg0, %mul3A_11, %dma_wait3A_19] : memref<2x10240x48xf32, #tpu.memory_space<hbm>> -> memref<1x640x48xf32, #tpu.memory_space<hbm>>
      %dma_wait3A_21 = tpu.memref_squeeze %dma_wait3A_20 : memref<1x640x48xf32, #tpu.memory_space<hbm>> -> memref<640x48xf32, #tpu.memory_space<hbm>>
      tpu.wait_dma2 semaphore(%run_scoped3A : memref<!tpu.dma_semaphore, #tpu.memory_space<semaphore_mem>>) src(%arg10 : memref<640x48xf32, #tpu.memory_space<vmem>>) dst(%dma_wait3A_21 : memref<640x48xf32, #tpu.memory_space<hbm>>)
      tpu.yield
    }) : () -> ()
    return
  }
}

module attributes {stable_mosaic.version = 14 : i64} {
  func.func @_proj_body(%arg0: i32, %arg1: memref<400x128xf32, #tpu.memory_space<vmem>>, %arg2: memref<128x128xf32, #tpu.memory_space<vmem>>, %arg3: memref<400x64xf32, #tpu.memory_space<vmem>>, %arg4: memref<400x64xf32, #tpu.memory_space<vmem>>) attributes {dimension_semantics = [#tpu.dimension_semantics<arbitrary>], iteration_bounds = array<i64: 25>, scalar_prefetch = 0 : i64, scratch_operands = 0 : i64, tpu.core_type = #tpu.core_type<tc>, window_params = [{transform_indices = @transform_0, window_bounds = array<i64: 400, 128>}, {pipeline_mode = #tpu.pipeline_mode<synchronous>, transform_indices = @transform_1, window_bounds = array<i64: 128, 128>}, {transform_indices = @transform_2, window_bounds = array<i64: 400, 64>}, {transform_indices = @transform_3, window_bounds = array<i64: 400, 64>}]} {
    %get3A = arith.constant 0 : index
    %get3A_0 = arith.constant 0 : index
    %get3A_1 = vector.load %arg1[%get3A, %get3A_0] : memref<400x128xf32, #tpu.memory_space<vmem>>, vector<400x128xf32>
    %get3A_2 = arith.constant 0 : index
    %get3A_3 = arith.constant 0 : index
    %get3A_4 = vector.load %arg2[%get3A_2, %get3A_3] : memref<128x128xf32, #tpu.memory_space<vmem>>, vector<128x128xf32>
    %dot_general3A = arith.constant dense<0.000000e+00> : vector<400x128xf32>
    %dot_general3A_5 = tpu.matmul %get3A_1, %get3A_4, %dot_general3A {dimension_numbers = #tpu.dot_dimension_numbers<[1], [0], [0], [1], [0, 0, 1, 1], [], []>, transpose_lhs_hint = false} : vector<400x128xf32>, vector<128x128xf32>, vector<400x128xf32> -> vector<400x128xf32>
    %slice3A = vector.extract_strided_slice %dot_general3A_5 {offsets = [0, 0], sizes = [400, 64], strides = [1, 1]} : vector<400x128xf32> to vector<400x64xf32>
    %swap3A = arith.constant 0 : index
    %swap3A_6 = arith.constant 0 : index
    %swap3A_7 = vector.load %arg3[%swap3A, %swap3A_6] : memref<400x64xf32, #tpu.memory_space<vmem>>, vector<400x64xf32>
    tpu.vector_store %arg3[%swap3A, %swap3A_6], %slice3A {strides = array<i32>} : memref<400x64xf32, #tpu.memory_space<vmem>>, vector<400x64xf32>,
    %slice3A_8 = vector.extract_strided_slice %dot_general3A_5 {offsets = [0, 64], sizes = [400, 64], strides = [1, 1]} : vector<400x128xf32> to vector<400x64xf32>
    %swap3A_9 = arith.constant 0 : index
    %swap3A_10 = arith.constant 0 : index
    %swap3A_11 = vector.load %arg4[%swap3A_9, %swap3A_10] : memref<400x64xf32, #tpu.memory_space<vmem>>, vector<400x64xf32>
    tpu.vector_store %arg4[%swap3A_9, %swap3A_10], %slice3A_8 {strides = array<i32>} : memref<400x64xf32, #tpu.memory_space<vmem>>, vector<400x64xf32>,
    return
  }
  func.func @transform_0(%arg0: i32) -> (i32, i32) {
    %c0_i32 = arith.constant 0 : i32
    %c0_i32_0 = arith.constant 0 : i32
    return %arg0, %c0_i32 : i32, i32
  }
  func.func @transform_1(%arg0: i32) -> (i32, i32) {
    %c0_i32 = arith.constant 0 : i32
    %c0_i32_0 = arith.constant 0 : i32
    %c0_i32_1 = arith.constant 0 : i32
    return %c0_i32, %c0_i32_0 : i32, i32
  }
  func.func @transform_2(%arg0: i32) -> (i32, i32) {
    %c0_i32 = arith.constant 0 : i32
    %c0_i32_0 = arith.constant 0 : i32
    return %arg0, %c0_i32 : i32, i32
  }
  func.func @transform_3(%arg0: i32) -> (i32, i32) {
    %c0_i32 = arith.constant 0 : i32
    %c0_i32_0 = arith.constant 0 : i32
    return %arg0, %c0_i32 : i32, i32
  }
}

module attributes {stable_mosaic.version = 14 : i64} {
  func.func @_combine1_body(%arg0: i32, %arg1: memref<400x128xf32, #tpu.memory_space<vmem>>, %arg2: memref<400x64xf32, #tpu.memory_space<vmem>>, %arg3: memref<400x64xf32, #tpu.memory_space<vmem>>, %arg4: memref<400x16xf32, #tpu.memory_space<vmem>>, %arg5: memref<128x128xf32, #tpu.memory_space<vmem>>, %arg6: memref<1x128xf32, #tpu.memory_space<vmem>>, %arg7: memref<128x48xf32, #tpu.memory_space<vmem>>, %arg8: memref<400x128xf32, #tpu.memory_space<vmem>>, %arg9: memref<400x48xf32, #tpu.memory_space<vmem>>) attributes {dimension_semantics = [#tpu.dimension_semantics<arbitrary>], iteration_bounds = array<i64: 25>, scalar_prefetch = 0 : i64, scratch_operands = 0 : i64, tpu.core_type = #tpu.core_type<tc>, window_params = [{transform_indices = @transform_0, window_bounds = array<i64: 400, 128>}, {transform_indices = @transform_1, window_bounds = array<i64: 400, 64>}, {transform_indices = @transform_2, window_bounds = array<i64: 400, 64>}, {transform_indices = @transform_3, window_bounds = array<i64: 400, 16>}, {pipeline_mode = #tpu.pipeline_mode<synchronous>, transform_indices = @transform_4, window_bounds = array<i64: 128, 128>}, {pipeline_mode = #tpu.pipeline_mode<synchronous>, transform_indices = @transform_5, window_bounds = array<i64: 1, 128>}, {pipeline_mode = #tpu.pipeline_mode<synchronous>, transform_indices = @transform_6, window_bounds = array<i64: 128, 48>}, {transform_indices = @transform_7, window_bounds = array<i64: 400, 128>}, {transform_indices = @transform_8, window_bounds = array<i64: 400, 48>}]} {
    %get3A = arith.constant 0 : index
    %get3A_0 = arith.constant 0 : index
    %get3A_1 = vector.load %arg4[%get3A, %get3A_0] : memref<400x16xf32, #tpu.memory_space<vmem>>, vector<400x1xf32>
    %max3A = arith.constant 1.000000e+00 : f32
    %max3A_2 = vector.broadcast %max3A : f32 to vector<400x1xf32>
    %max3A_3 = arith.maximumf %get3A_1, %max3A_2 : vector<400x1xf32>
    %div3A = arith.constant 1.000000e+00 : f32
    %div3A_4 = vector.broadcast %div3A : f32 to vector<400x1xf32>
    %div3A_5 = arith.divf %div3A_4, %max3A_3 : vector<400x1xf32>
    %get3A_6 = arith.constant 0 : index
    %get3A_7 = arith.constant 0 : index
    %get3A_8 = vector.load %arg2[%get3A_6, %get3A_7] : memref<400x64xf32, #tpu.memory_space<vmem>>, vector<400x64xf32>
    %get3A_9 = arith.constant 0 : index
    %get3A_10 = arith.constant 0 : index
    %get3A_11 = vector.load %arg3[%get3A_9, %get3A_10] : memref<400x64xf32, #tpu.memory_space<vmem>>, vector<400x64xf32>
    %concatenate3A = tpu.concatenate %get3A_8, %get3A_11 in 1 : vector<400x64xf32>, vector<400x64xf32> -> vector<400x128xf32>
    %mul3A = vector.broadcast %div3A_5 : vector<400x1xf32> to vector<400x128xf32>
    %mul3A_12 = arith.mulf %concatenate3A, %mul3A : vector<400x128xf32>
    %get3A_13 = arith.constant 0 : index
    %get3A_14 = arith.constant 0 : index
    %get3A_15 = vector.load %arg1[%get3A_13, %get3A_14] : memref<400x128xf32, #tpu.memory_space<vmem>>, vector<400x128xf32>
    %get3A_16 = arith.constant 0 : index
    %get3A_17 = arith.constant 0 : index
    %get3A_18 = vector.load %arg5[%get3A_16, %get3A_17] : memref<128x128xf32, #tpu.memory_space<vmem>>, vector<128x128xf32>
    %dot_general3A = arith.constant dense<0.000000e+00> : vector<400x128xf32>
    %dot_general3A_19 = tpu.matmul %get3A_15, %get3A_18, %dot_general3A {dimension_numbers = #tpu.dot_dimension_numbers<[1], [0], [0], [1], [0, 0, 1, 1], [], []>, transpose_lhs_hint = false} : vector<400x128xf32>, vector<128x128xf32>, vector<400x128xf32> -> vector<400x128xf32>
    %add3A = arith.addf %mul3A_12, %dot_general3A_19 : vector<400x128xf32>
    %get3A_20 = arith.constant 0 : index
    %get3A_21 = arith.constant 0 : index
    %get3A_22 = vector.load %arg6[%get3A_20, %get3A_21] : memref<1x128xf32, #tpu.memory_space<vmem>>, vector<1x128xf32>
    %add3A_23 = vector.broadcast %get3A_22 : vector<1x128xf32> to vector<400x128xf32>
    %add3A_24 = arith.addf %add3A, %add3A_23 : vector<400x128xf32>
    %max3A_25 = arith.constant 0.000000e+00 : f32
    %max3A_26 = vector.broadcast %max3A_25 : f32 to vector<400x128xf32>
    %max3A_27 = arith.maximumf %add3A_24, %max3A_26 : vector<400x128xf32>
    %swap3A = arith.constant 0 : index
    %swap3A_28 = arith.constant 0 : index
    %swap3A_29 = vector.load %arg8[%swap3A, %swap3A_28] : memref<400x128xf32, #tpu.memory_space<vmem>>, vector<400x128xf32>
    tpu.vector_store %arg8[%swap3A, %swap3A_28], %max3A_27 {strides = array<i32>} : memref<400x128xf32, #tpu.memory_space<vmem>>, vector<400x128xf32>,
    %get3A_30 = arith.constant 0 : index
    %get3A_31 = arith.constant 0 : index
    %get3A_32 = vector.load %arg7[%get3A_30, %get3A_31] : memref<128x48xf32, #tpu.memory_space<vmem>>, vector<128x48xf32>
    %dot_general3A_33 = arith.constant dense<0.000000e+00> : vector<400x48xf32>
    %dot_general3A_34 = tpu.matmul %max3A_27, %get3A_32, %dot_general3A_33 {dimension_numbers = #tpu.dot_dimension_numbers<[1], [0], [0], [1], [0, 0, 1, 1], [], []>, transpose_lhs_hint = false} : vector<400x128xf32>, vector<128x48xf32>, vector<400x48xf32> -> vector<400x48xf32>
    %swap3A_35 = arith.constant 0 : index
    %swap3A_36 = arith.constant 0 : index
    %swap3A_37 = vector.load %arg9[%swap3A_35, %swap3A_36] : memref<400x48xf32, #tpu.memory_space<vmem>>, vector<400x48xf32>
    tpu.vector_store %arg9[%swap3A_35, %swap3A_36], %dot_general3A_34 {strides = array<i32>} : memref<400x48xf32, #tpu.memory_space<vmem>>, vector<400x48xf32>,
    return
  }
  func.func @transform_0(%arg0: i32) -> (i32, i32) {
    %c0_i32 = arith.constant 0 : i32
    %c0_i32_0 = arith.constant 0 : i32
    return %arg0, %c0_i32 : i32, i32
  }
  func.func @transform_1(%arg0: i32) -> (i32, i32) {
    %c0_i32 = arith.constant 0 : i32
    %c0_i32_0 = arith.constant 0 : i32
    return %arg0, %c0_i32 : i32, i32
  }
  func.func @transform_2(%arg0: i32) -> (i32, i32) {
    %c0_i32 = arith.constant 0 : i32
    %c0_i32_0 = arith.constant 0 : i32
    return %arg0, %c0_i32 : i32, i32
  }
  func.func @transform_3(%arg0: i32) -> (i32, i32) {
    %c0_i32 = arith.constant 0 : i32
    %c0_i32_0 = arith.constant 0 : i32
    return %arg0, %c0_i32 : i32, i32
  }
  func.func @transform_4(%arg0: i32) -> (i32, i32) {
    %c0_i32 = arith.constant 0 : i32
    %c0_i32_0 = arith.constant 0 : i32
    %c0_i32_1 = arith.constant 0 : i32
    return %c0_i32, %c0_i32_0 : i32, i32
  }
  func.func @transform_5(%arg0: i32) -> (i32, i32) {
    %c0_i32 = arith.constant 0 : i32
    %c0_i32_0 = arith.constant 0 : i32
    %c0_i32_1 = arith.constant 0 : i32
    return %c0_i32, %c0_i32_0 : i32, i32
  }
  func.func @transform_6(%arg0: i32) -> (i32, i32) {
    %c0_i32 = arith.constant 0 : i32
    %c0_i32_0 = arith.constant 0 : i32
    %c0_i32_1 = arith.constant 0 : i32
    return %c0_i32, %c0_i32_0 : i32, i32
  }
  func.func @transform_7(%arg0: i32) -> (i32, i32) {
    %c0_i32 = arith.constant 0 : i32
    %c0_i32_0 = arith.constant 0 : i32
    return %arg0, %c0_i32 : i32, i32
  }
  func.func @transform_8(%arg0: i32) -> (i32, i32) {
    %c0_i32 = arith.constant 0 : i32
    %c0_i32_0 = arith.constant 0 : i32
    return %arg0, %c0_i32 : i32, i32
  }
}

module attributes {stable_mosaic.version = 14 : i64} {
  func.func @_combine2_body(%arg0: i32, %arg1: memref<400x128xf32, #tpu.memory_space<vmem>>, %arg2: memref<400x48xf32, #tpu.memory_space<vmem>>, %arg3: memref<400x48xf32, #tpu.memory_space<vmem>>, %arg4: memref<400x16xf32, #tpu.memory_space<vmem>>, %arg5: memref<128x48xf32, #tpu.memory_space<vmem>>, %arg6: memref<1x48xf32, #tpu.memory_space<vmem>>, %arg7: memref<400x48xf32, #tpu.memory_space<vmem>>) attributes {dimension_semantics = [#tpu.dimension_semantics<arbitrary>], iteration_bounds = array<i64: 25>, scalar_prefetch = 0 : i64, scratch_operands = 0 : i64, tpu.core_type = #tpu.core_type<tc>, window_params = [{transform_indices = @transform_0, window_bounds = array<i64: 400, 128>}, {transform_indices = @transform_1, window_bounds = array<i64: 400, 48>}, {transform_indices = @transform_2, window_bounds = array<i64: 400, 48>}, {transform_indices = @transform_3, window_bounds = array<i64: 400, 16>}, {pipeline_mode = #tpu.pipeline_mode<synchronous>, transform_indices = @transform_4, window_bounds = array<i64: 128, 48>}, {pipeline_mode = #tpu.pipeline_mode<synchronous>, transform_indices = @transform_5, window_bounds = array<i64: 1, 48>}, {transform_indices = @transform_6, window_bounds = array<i64: 400, 48>}]} {
    %get3A = arith.constant 0 : index
    %get3A_0 = arith.constant 0 : index
    %get3A_1 = vector.load %arg4[%get3A, %get3A_0] : memref<400x16xf32, #tpu.memory_space<vmem>>, vector<400x1xf32>
    %max3A = arith.constant 1.000000e+00 : f32
    %max3A_2 = vector.broadcast %max3A : f32 to vector<400x1xf32>
    %max3A_3 = arith.maximumf %get3A_1, %max3A_2 : vector<400x1xf32>
    %div3A = arith.constant 1.000000e+00 : f32
    %div3A_4 = vector.broadcast %div3A : f32 to vector<400x1xf32>
    %div3A_5 = arith.divf %div3A_4, %max3A_3 : vector<400x1xf32>
    %get3A_6 = arith.constant 0 : index
    %get3A_7 = arith.constant 0 : index
    %get3A_8 = vector.load %arg2[%get3A_6, %get3A_7] : memref<400x48xf32, #tpu.memory_space<vmem>>, vector<400x48xf32>
    %get3A_9 = arith.constant 0 : index
    %get3A_10 = arith.constant 0 : index
    %get3A_11 = vector.load %arg3[%get3A_9, %get3A_10] : memref<400x48xf32, #tpu.memory_space<vmem>>, vector<400x48xf32>
    %add3A = arith.addf %get3A_8, %get3A_11 : vector<400x48xf32>
    %mul3A = vector.broadcast %div3A_5 : vector<400x1xf32> to vector<400x48xf32>
    %mul3A_12 = arith.mulf %add3A, %mul3A : vector<400x48xf32>
    %get3A_13 = arith.constant 0 : index
    %get3A_14 = arith.constant 0 : index
    %get3A_15 = vector.load %arg1[%get3A_13, %get3A_14] : memref<400x128xf32, #tpu.memory_space<vmem>>, vector<400x128xf32>
    %get3A_16 = arith.constant 0 : index
    %get3A_17 = arith.constant 0 : index
    %get3A_18 = vector.load %arg5[%get3A_16, %get3A_17] : memref<128x48xf32, #tpu.memory_space<vmem>>, vector<128x48xf32>
    %dot_general3A = arith.constant dense<0.000000e+00> : vector<400x48xf32>
    %dot_general3A_19 = tpu.matmul %get3A_15, %get3A_18, %dot_general3A {dimension_numbers = #tpu.dot_dimension_numbers<[1], [0], [0], [1], [0, 0, 1, 1], [], []>, transpose_lhs_hint = false} : vector<400x128xf32>, vector<128x48xf32>, vector<400x48xf32> -> vector<400x48xf32>
    %add3A_20 = arith.addf %mul3A_12, %dot_general3A_19 : vector<400x48xf32>
    %get3A_21 = arith.constant 0 : index
    %get3A_22 = arith.constant 0 : index
    %get3A_23 = vector.load %arg6[%get3A_21, %get3A_22] : memref<1x48xf32, #tpu.memory_space<vmem>>, vector<1x48xf32>
    %add3A_24 = vector.broadcast %get3A_23 : vector<1x48xf32> to vector<400x48xf32>
    %add3A_25 = arith.addf %add3A_20, %add3A_24 : vector<400x48xf32>
    %swap3A = arith.constant 0 : index
    %swap3A_26 = arith.constant 0 : index
    %swap3A_27 = vector.load %arg7[%swap3A, %swap3A_26] : memref<400x48xf32, #tpu.memory_space<vmem>>, vector<400x48xf32>
    tpu.vector_store %arg7[%swap3A, %swap3A_26], %add3A_25 {strides = array<i32>} : memref<400x48xf32, #tpu.memory_space<vmem>>, vector<400x48xf32>,
    return
  }
  func.func @transform_0(%arg0: i32) -> (i32, i32) {
    %c0_i32 = arith.constant 0 : i32
    %c0_i32_0 = arith.constant 0 : i32
    return %arg0, %c0_i32 : i32, i32
  }
  func.func @transform_1(%arg0: i32) -> (i32, i32) {
    %c0_i32 = arith.constant 0 : i32
    %c0_i32_0 = arith.constant 0 : i32
    return %arg0, %c0_i32 : i32, i32
  }
  func.func @transform_2(%arg0: i32) -> (i32, i32) {
    %c0_i32 = arith.constant 0 : i32
    %c0_i32_0 = arith.constant 0 : i32
    return %arg0, %c0_i32 : i32, i32
  }
  func.func @transform_3(%arg0: i32) -> (i32, i32) {
    %c0_i32 = arith.constant 0 : i32
    %c0_i32_0 = arith.constant 0 : i32
    return %arg0, %c0_i32 : i32, i32
  }
  func.func @transform_4(%arg0: i32) -> (i32, i32) {
    %c0_i32 = arith.constant 0 : i32
    %c0_i32_0 = arith.constant 0 : i32
    %c0_i32_1 = arith.constant 0 : i32
    return %c0_i32, %c0_i32_0 : i32, i32
  }
  func.func @transform_5(%arg0: i32) -> (i32, i32) {
    %c0_i32 = arith.constant 0 : i32
    %c0_i32_0 = arith.constant 0 : i32
    %c0_i32_1 = arith.constant 0 : i32
    return %c0_i32, %c0_i32_0 : i32, i32
  }
  func.func @transform_6(%arg0: i32) -> (i32, i32) {
    %c0_i32 = arith.constant 0 : i32
    %c0_i32_0 = arith.constant 0 : i32
    return %arg0, %c0_i32 : i32, i32
  }
}

</mosaic_0001>

<sc_bundles>
// kernel: kernel.10.cloned.1.call-start
scs
__scs_entry_jumppad:
0x0: {  	(pc) =	sbr.rel $0x88, $3  }
0x1: {  	(tag) =	ssettag $0x0;
	lr =	simm.s32 $0x1  }
0x2: {  	[smem:$0x3F99] =	sst lr;
	_ =	strace $0xD0000000  }
0x3: {  	_ = 	snop  }
0x4: {  	_ = 	snop  }
0x5: {  	_ = 	snop  }
0x6: {  	_ = 	snop  }
0x7: {  	_ = 	snop  }
__scs_overlays_trampoline_lowered:
0x8: {  	[smem:$0x3FA8] =	sst s0  }
0x9: {  	[smem:$0x3FA9] =	sst s1  }
0xa: {  	[smem:$0x3FAA] =	sst s2  }
0xb: {  	[smem:$0x3FAB] =	sst s3  }
0xc: {  	[smem:$0x3FAC] =	sst s4  }
0xd: {  	[smem:$0x3FAD] =	sst s5  }
0xe: {  	[smem:$0x3FAE] =	sst s6  }
0xf: {  	[smem:$0x3FAF] =	sst s7  }
0x10: {  	[smem:$0x3FB0] =	sst s8  }
0x11: {  	[smem:$0x3FB1] =	sst s9;
	s0 =	simm.s32 @!p0 $0x0  }
0x12: {  	s1 =	sld [smem:$0x3F97];
	s0 =	simm.s32 @p0 $0x1  }
0x13: {  	[smem:$0x3FB2] =	sst s0;
	s0 =	simm.s32 @!p1 $0x0  }
0x14: {  	s2 =	sld [smem:$0x3F96];
	s0 =	simm.s32 @p1 $0x1  }
0x15: {  	[smem:$0x3FB3] =	sst s0;
	s0 =	simm.s32 @!p2 $0x0  }
0x16: {  	s3 =	sld [smem:$0x3FDB];
	s0 =	simm.s32 @p2 $0x1  }
0x17: {  	s4 =	simm.s32 $0x1BF5;
	[smem:$0x3FB5] =	sst s0  }
0x18: {  	s0 =	sld [smem:$0x3F98];
	_ =	swait.ge [sflag:s4], $0x0  }
0x19: {  	s7 =	sld [smem:$0x3F99]  }
0x1a: {  	s8 =	sadd.s32 $0xFFFFE003, lr  }
0x1b: {  	s9 =	sadd.s32 $0xFFFFFEF7, lr;
	s5 =	simm.s32 $0xFFFFFFFF;
	p2 =	slt.u32 s8, $0xFFFFF086  }
0x1c: {  	p1 =	slt.u32 s9, $0xF7A;
	s5 =	simm.s32 @!p2 $0x0  }
0x1d: {  	s5 =	simm.s32 @p1 $0x1;
	p0 =	seq.s32 s7, s2  }
0x1e: {  	s7 =	smul.u32 @!p0 $0xF7A, s2;
	p2 =	seq.s32 @!p0 s5, $0x0  }
0x1f: {  	s9 =	smul.u32 $0xF7A, s1;
	s8 =	simm.s32 @!p0 $0x1BF5;
	p2 =	por !p2, p0  }
0x20: {  	[sflag:s8] =	ssyncset.s32 @!p0 $0xFFFFF086;
	s6 =	sadd.s32 @!p0 s3, s7;
	s7 =	simm.s32 @!p0 $0x108  }
0x21: {  	s3 =	sadd.s32 s3, s9;
	s6 =	sadd.s32 @!p0 $0x88, s6;
	s7 =	simm.s32 @p2 $0x1082  }
0x22: {  	[simem:s7], [sflag:s8] =	dma.local @!p0 [hbm:s6], $0xF7A  }
0x23: {  	s9 =	sor.u32 $0xD0000000, s2;
	s6 =	simm.s32 $0x108;
	_ =	swait.ge @!p0 [sflag:s8], $0x0  }
0x24: {  	s3 =	sadd.s32 $0x88, s3;
	s6 =	simm.s32 @!p1 $0x1082;
	[sflag:s4] =	ssyncset.s32 $0xFFFFF086  }
0x25: {  	[simem:s6], [sflag:s4] =	dma.local [hbm:s3], $0xF7A  }
0x26: {  	[smem:$0x3F99] =	sst s1;
	(tag) =	ssettag s2;
	_ =	strace s9  }
0x27: {  	s1 =	sld [smem:$0x3FA9]  }
0x28: {  	s2 =	sld [smem:$0x3FAA]  }
0x29: {  	s4 =	sld [smem:$0x3FAC]  }
0x2a: {  	p0 =	seq.s32 s5, $0x0;
	s5 =	sld [smem:$0x3FAD]  }
0x2b: {  	s6 =	sld [smem:$0x3FAE]  }
0x2c: {  	s7 =	sld [smem:$0x3FAF]  }
0x2d: {  	s3 =	simm.s32 $0x108;
	s8 =	sld [smem:$0x3FB0]  }
0x2e: {  	s3 =	simm.s32 @!p0 $0x1082;
	s9 =	sld [smem:$0x3FB1]  }
0x2f: {  	lr =	sadd.s32 s0, s3;
	s0 =	sld [smem:$0x3FA8]  }
0x30: {  	s3 =	sld [smem:$0x3FAB]  }
0x31: {  	[smem:$0x3FB4] =	sst s10  }
0x32: {  	s10 =	sld [smem:$0x3FB2];
	_ =	sdelay $0x3  }
0x33: {  	p0 =	seq.s32 s10, $0x1;
	s10 =	sld [smem:$0x3FB4];
	_ =	sdelay $0x3  }
0x34: {  	[smem:$0x3FB4] =	sst s10  }
0x35: {  	s10 =	sld [smem:$0x3FB3];
	_ =	sdelay $0x3  }
0x36: {  	p1 =	seq.s32 s10, $0x1;
	s10 =	sld [smem:$0x3FB4];
	_ =	sdelay $0x3  }
0x37: {  	[smem:$0x3FB4] =	sst s10  }
0x38: {  	s10 =	sld [smem:$0x3FB5]  }
0x39: {  	_ = 	snop;
	(pc) =	sbr.ind lr, $3  }
0x3a: {  	_ = 	snop  }
0x3b: {  	_ = 	snop  }
0x3c: {  	p2 =	seq.s32 s10, $0x1;
	s10 =	sld [smem:$0x3FB4]  }
0x3d: {  	_ =	shalt  }
0x3e: {  	_ =	shalt  }
0x3f: {  	_ =	shalt  }
0x40: {  	_ =	shalt  }
0x41: {  	_ =	shalt  }
0x42: {  	_ =	shalt  }
0x43: {  	_ =	shalt  }
0x44: {  	_ =	shalt  }
0x45: {  	_ =	shalt  }
0x46: {  	_ =	shalt  }
0x47: {  	_ =	shalt  }
0x48: {  	_ =	shalt  }
0x49: {  	_ =	shalt  }
0x4a: {  	_ =	shalt  }
0x4b: {  	_ =	shalt  }
0x4c: {  	_ =	shalt  }
0x4d: {  	_ =	shalt  }
0x4e: {  	_ =	shalt  }
0x4f: {  	_ =	shalt  }
0x50: {  	_ =	shalt  }
0x51: {  	_ =	shalt  }
0x52: {  	_ =	shalt  }
0x53: {  	_ =	shalt  }
0x54: {  	_ =	shalt  }
0x55: {  	_ =	shalt  }
0x56: {  	_ =	shalt  }
0x57: {  	_ =	shalt  }
0x58: {  	_ =	shalt  }
0x59: {  	_ =	shalt  }
0x5a: {  	_ =	shalt  }
0x5b: {  	_ =	shalt  }
0x5c: {  	_ =	shalt  }
0x5d: {  	_ =	shalt  }
0x5e: {  	_ =	shalt  }
0x5f: {  	_ =	shalt  }
0x60: {  	_ =	shalt  }
0x61: {  	_ =	shalt  }
0x62: {  	_ =	shalt  }
0x63: {  	_ =	shalt  }
0x64: {  	_ =	shalt  }
0x65: {  	_ =	shalt  }
0x66: {  	_ =	shalt  }
0x67: {  	_ =	shalt  }
0x68: {  	_ =	shalt  }
0x69: {  	_ =	shalt  }
0x6a: {  	_ =	shalt  }
0x6b: {  	_ =	shalt  }
0x6c: {  	_ =	shalt  }
0x6d: {  	_ =	shalt  }
0x6e: {  	_ =	shalt  }
0x6f: {  	_ =	shalt  }
0x70: {  	_ =	shalt  }
0x71: {  	_ =	shalt  }
0x72: {  	_ =	shalt  }
0x73: {  	_ =	shalt  }
0x74: {  	_ =	shalt  }
0x75: {  	_ =	shalt  }
0x76: {  	_ =	shalt  }
0x77: {  	_ =	shalt  }
0x78: {  	_ =	shalt  }
0x79: {  	_ =	shalt  }
0x7a: {  	_ =	shalt  }
0x7b: {  	_ =	shalt  }
0x7c: {  	_ =	shalt  }
0x7d: {  	_ =	shalt  }
0x7e: {  	_ =	shalt  }
0x7f: {  	_ =	shalt  }
0x80: {  	_ =	shalt  }
0x81: {  	_ =	shalt  }
0x82: {  	_ =	shalt  }
0x83: {  	_ =	shalt  }
0x84: {  	_ =	shalt  }
0x85: {  	_ =	shalt  }
0x86: {  	_ =	shalt  }
0x87: {  	_ =	shalt  }
.Lfunc_end0:
.L_simem_size_0:
called_computation.1_lowered:
.L_overlay_start_0:
0x88: {  	s2 =	sld [smem:$0x3FD9]  }
0x89: {  	s3 =	sld [smem:$0x3FFE];
	_ =	sdelay $0x1  }
0x8a: {  	s1 =	srdreg.scid  }
0x8b: {  	s0 =	sand.u32 $0x1, s1  }
0x8c: {  	s17 =	sshll.u32 s0, $0xA;
	s2 =	sadd.s32 s3, s2  }
0x8d: {  	s2 =	sadd.s32 s2, s17  }
0x8e: {  	[smem:$0x3FC0] =	sst s2  }
0x8f: {  	_ = 	snop  }
0x90: {  	s2 =	sld [smem:$0x3FD0];
	(tm) =	ssettm $0x1  }
0x91: {  	s18 =	sld [smem:$0x3FFB];
	_ =	sdelay $0x3  }
0x92: {  	_ =	strace s18  }
0x93: {  	s3 =	sld [smem:$0x3FFC];
	_ =	sdelay $0x3  }
0x94: {  	_ =	strace s3  }
0x95: {  	s3 =	sld [smem:$0x3FFD];
	_ =	sdelay $0x3  }
0x96: {  	_ =	strace s3  }
0x97: {  	_ =	strace $0x8FFFFFFF  }
0x98: {  	s19 =	sld [smem:$0x3FDB];
	_ =	sdelay $0x1  }
0x99: {  	s4 =	simm.s32 $_scs_section_size  }
0x9a: {  	s5 =	simm.s32 $_size__tile_overlayer_lowered;
	s6 =	simm.s32 $_tile_overlayer_lowered  }
0x9b: {  	s22 =	simm.s32 $0x1BFF;
	s21 =	sshll.u32 s6, $0x1;
	s3 =	sadd.s32 s4, s19  }
0x9c: {  	s7 =	simm.s32 $0x0;
	s20 =	sshll.u32 s5, $0x1;
	s5 =	sadd.s32 s21, s3  }
0x9d: {  	[timem:s7], [sflag:s22] =	dma.local [hbm:s5], s20  }
0x9e: {  	_ =	swait.ge [sflag:s22], s20  }
0x9f: {  	s4 =	ssub.s32 $0x0, s20;
	[sflag:s22] =	ssyncset.done $0x0  }
0xa0: {  	[sflag:s22] =	ssyncadd.s32 s4;
	_ =	sdelay $0x1  }
0xa1: {  	s23 =	simm.s32 $0x1B8B  }
0xa2: {  	_ =	swait.ge [sflag:s23], $0x1  }
0xa3: {  	[sflag:s23] =	ssyncset.done $0x0  }
0xa4: {  	s25 =	simm.s32 $0x1B8E;
	s24 =	sld [smem:$0x3FFE];
	[sflag:s23] =	ssyncadd.s32 $0xFFFFFFFF  }
0xa5: {  	s26 =	simm.s32 $execute0_lowered;
	[smem:$0x3FD2] =	sst s25  }
0xa6: {  	s5 =	sshll.u32 s26, $0x1;
	_ =	strace $0x80000049;
	[dreg:$0x1] =	wrdreg $0xFFFFFFFF  }
0xa7: {  	s28 =	simm.s32 $_size_execute0_lowered;
	s3 =	sadd.s32 s3, s5;
	[dreg:$0x0] =	wrdreg $0x0  }
0xa8: {  	s5 =	sshll.u32 s28, $0x1;
	[dreg:$0x2] =	wrdreg s3  }
0xa9: {  	[dreg:$0x3] =	wrdreg s5  }
0xaa: {  	[dreg:$0x4] =	wrdreg $0xC0  }
0xab: {  	_ =	task [dreg:s7], $0x5FFFF  }
0xac: {  	[dreg:$0x1] =	wrdreg $0xFFFFFFFF  }
0xad: {  	[dreg:$0x0] =	wrdreg $0x60  }
0xae: {  	[dreg:$0x2] =	wrdreg s24  }
0xaf: {  	[dreg:$0x3] =	wrdreg s2  }
0xb0: {  	[dreg:$0x4] =	wrdreg $0x87A00  }
0xb1: {  	[dreg:$0x5] =	wrdreg $0x9  }
0xb2: {  	_ =	task.clear_ibuf [dreg:s7], $0x6FFFF;
	_ =	strace $0x90000049  }
0xb3: {  	s29 =	simm.s32 $0x9;
	_ =	strace $0x8000004B  }
0xb4: {  	_ =	swait.ge [sflag:s29], $0x1  }
0xb5: {  	[sflag:s29] =	ssyncadd.s32 $0xFFFFFFFF  }
0xb6: {  	_ =	strace $0x9000004B  }
0xb7: {  	_ =	sfence  }
0xb8: {  	s30 =	sld [smem:$0x0];
	_ =	sdelay $0x2  }
0xb9: {  	s31 =	sshll.u32 s1, $0xD;
	s1 =	sshrl.u32 s1, $0x2  }
0xba: {  	s3 =	sand.u32 $0x4000, s31;
	s1 =	sadd.s32 s1, s30  }
0xbb: {  	s0 =	sor.u32 s3, s0;
	s1 =	sshll.u32 s1, $0x11  }
0xbc: {  	s0 =	sor.u32 s1, s0  }
0xbd: {  	s0 =	sadd.s32 $0x8F2B, s0  }
0xbe: {  	[sflag:s0] =	ssyncadd.remote.s32 $0x1  }
0xbf: {  	_ =	sfence.sel $0xFFFF  }
0xc0: {  	[dreg:$0x0] =	wrdreg $0xFFFFFFFF;
	(pc) =	sbr.abs _section_cstart, $3  }
0xc1: {  	[dreg:$0x1] =	wrdreg $0xFFFFFFFF  }
0xc2: {  	_ =	task.clear_ibuf [dreg:s7], $0x2FFFF;
	_ =	strace $0x9FFFFFFF  }
0xc3: {  	(tm) =	ssettm $0x7FFFFFFF  }
tec
execute0_lowered:
.L_overlay_start_1:
0x0: {  	(tag) =	ssettag $0x1  }
0x1: {  	s6 =	rddreg [dreg:$0x0]  }
0x2: {  	s9 =	rddreg [dreg:$0x1]  }
0x3: {  	s0 =	srdreg.scid;
	s2 =	rddreg [dreg:$0x2]  }
0x4: {  	s1 =	rddreg [dreg:$0x3];
	s5 =	sand.u32 $0x1, s0  }
0x5: {  	s3 =	simm.s32 $0x0;
	s0 =	stileid.u32;
	s4 =	smul.u32 $0x27100, s5  }
0x6: {  	s13 =	simm.s32 $0x50;
	s14 =	simm.s32 $0xA0;
	s7 =	smul.u32 $0x2710, s0  }
0x7: {  	s15 =	simm.s32 $0x1;
	s16 =	simm.s32 $0x0;
	s8 =	smul.u32 $0x7800, s0  }
0x8: {  	[smem:$0x7FF] =	sst s3;
	s10 =	smul.u32 $0x78000, s5;
	s12 =	ssub.s32 $0x2, s5  }
0x9: {  	_ =	strace $0x8000004A;
	s5 =	sadd.s32 $0x10A00, s6;
	s31 =	sshrl.u32 s12, $0x1  }
0xa: {  	s7 =	sadd.s32 s7, s4;
	s4 =	sadd.s32 $0x1E00, s6;
	s29 =	sadd.s32 s8, s10  }
0xb: {  	s12 =	ssub.s32 s12, s31;
	s11 =	sshrl.u32 s7, $0x3;
	s7 =	sshrl.u32 s29, $0x3  }
0xc: {  	s30 =	sadd.s32 s11, s6;
	s7 =	sadd.s32 s7, s6;
	s6 =	sadd.s32 s8, s2  }
0xd: {  	s8 =	smax.u32 s12, $0x1;
	s9 =	sadd.s32 s11, s9;
	s11 =	simm.s32 $0xFA0  }
0xe: {  	s12 =	simm.s32 $0x2;
	s7 =	sadd.s32 $0x33000, s7;
	s10 =	sadd.s32 $0x29200, s30  }
.LBB2_1:
0xf: {  	[tilespmem:s11], [sflag:$0x2] =	stream.linear.gather [hbm4b:s5+s3], $0x7800, $0x38;
	[tilespmem:$0xFFA0] =	vst v63  }
0x10: {  	_ =	swait.ge [sflag:s12], $0x7800  }
0x11: {  	[sflag:s12] =	ssyncset.done $0x0  }
0x12: {  	[sflag:s12] =	ssyncadd.s32 $0xFFFF8800  }
0x13: {  	[spmem:s6] =	stream.linear.scatter [tilespmem:s11], [sflag:$0x2], $0x7800, $0x38;
	[tilespmem:$0xFFA0] =	vst v63  }
0x14: {  	_ =	swait.ge [sflag:s12], $0x7800  }
0x15: {  	[sflag:s12] =	ssyncset.done $0x0  }
0x16: {  	[sflag:s12] =	ssyncadd.s32 $0xFFFF8800  }
0x17: {  	s17 =	sadd.s32 $0x0, s10;
	[bflag:$0x0] =	sbarrier.arrive $0xFFFF  }
0x18: {  	[tilespmem:s3], [sflag:$0x2] =	stream.linear.gather [hbm4b:s17+s3], $0x50, $0x38;
	[tilespmem:$0xFFA0] =	vst v63  }
0x19: {  	_ =	swait.ge [sflag:s12], $0x50  }
0x1a: {  	[sflag:s12] =	ssyncset.done $0x0  }
0x1b: {  	s31 =	sadd.s32 $0x0, s9;
	[sflag:s12] =	ssyncadd.s32 $0xFFFFFFB0  }
0x1c: {  	[tilespmem:s13], [sflag:$0x2] =	stream.linear.gather [hbm4b:s31+s3], $0x50, $0x38;
	[tilespmem:$0xFFA0] =	vst v63  }
0x1d: {  	_ =	swait.ge [sflag:s12], $0x50  }
0x1e: {  	[sflag:s12] =	ssyncset.done $0x0  }
0x1f: {  	[sflag:s12] =	ssyncadd.s32 $0xFFFFFFB0  }
0x20: {  	[tilespmem:s14], [sflag:$0x1] =	stream.indirect.gather [hbm4b:s4+s13], $0x30, s3, s13, $0xb8;
	[tilespmem:$0xFFA0] =	vst v63  }
0x21: {  	_ =	swait.ge [sflag:s15], $0xF00  }
0x22: {  	[sflag:s15] =	ssyncset.done $0x0  }
0x23: {  	[sflag:s15] =	ssyncadd.s32 $0xFFFFF100  }
0x24: {  	[spmem:s2] =	stream.indirect.scatter.add.f32 [tilespmem:s14], [sflag:$0x2], $0x30, s13, s13, $0xb8;
	[tilespmem:$0xFFA0] =	vst v63  }
0x25: {  	_ =	swait.ge [sflag:s12], $0xF00  }
0x26: {  	s18 =	simm.s32 $0x14;
	s17 =	simm.s32 $0xA;
	[sflag:s12] =	ssyncset.done $0x0  }
.LBB2_2:
0x27: {  	s19 =	sadd.s32 s17, s10  }
0x28: {  	[sflag:s12] =	ssyncadd.s32 $0xFFFFF100;
	s20 =	smov.u32 s18;
	s21 =	sadd.s32 $0xA, s18  }
0x29: {  	[tilespmem:s3], [sflag:$0x2] =	stream.linear.gather [hbm4b:s19+s3], $0x50, $0x38;
	[tilespmem:$0xFFA0] =	vst v63  }
0x2a: {  	p0 =	sne.s32 s18, $0x4D8;
	_ =	swait.ge [sflag:s12], $0x50  }
0x2b: {  	[sflag:s12] =	ssyncset.done $0x0  }
0x2c: {  	s18 =	sadd.s32 s17, s9;
	s17 =	smov.u32 s20;
	[sflag:s12] =	ssyncadd.s32 $0xFFFFFFB0  }
0x2d: {  	[tilespmem:s13], [sflag:$0x2] =	stream.linear.gather [hbm4b:s18+s3], $0x50, $0x38;
	[tilespmem:$0xFFA0] =	vst v63  }
0x2e: {  	_ =	swait.ge [sflag:s12], $0x50  }
0x2f: {  	[sflag:s12] =	ssyncset.done $0x0  }
0x30: {  	[sflag:s12] =	ssyncadd.s32 $0xFFFFFFB0  }
0x31: {  	[tilespmem:s14], [sflag:$0x1] =	stream.indirect.gather [hbm4b:s4+s13], $0x30, s3, s13, $0xb8;
	[tilespmem:$0xFFA0] =	vst v63  }
0x32: {  	_ =	swait.ge [sflag:s15], $0xF00  }
.Ltmp0:
0x33: {  	[sflag:s15] =	ssyncset.done $0x0;
	(pc) =	sbr.rel @p0 .LBB2_2-.Ltmp0, $4  }
0x34: {  	[sflag:s15] =	ssyncadd.s32 $0xFFFFF100  }
0x35: {  	[spmem:s2] =	stream.indirect.scatter.add.f32 [tilespmem:s14], [sflag:$0x2], $0x30, s13, s13, $0xb8;
	[tilespmem:$0xFFA0] =	vst v63  }
0x36: {  	_ =	swait.ge [sflag:s12], $0xF00  }
0x37: {  	s18 =	smov.u32 s21;
	[sflag:s12] =	ssyncset.done $0x0  }
0x38: {  	s18 =	sadd.s32 s17, s10;
	[sflag:s12] =	ssyncadd.s32 $0xFFFFF100  }
0x39: {  	[tilespmem:s3], [sflag:$0x2] =	stream.linear.gather [hbm4b:s18+s3], $0x50, $0x38;
	[tilespmem:$0xFFA0] =	vst v63  }
0x3a: {  	_ =	swait.ge [sflag:s12], $0x50  }
0x3b: {  	[sflag:s12] =	ssyncset.done $0x0  }
0x3c: {  	s31 =	sadd.s32 s17, s9;
	[sflag:s12] =	ssyncadd.s32 $0xFFFFFFB0  }
0x3d: {  	[tilespmem:s13], [sflag:$0x2] =	stream.linear.gather [hbm4b:s31+s3], $0x50, $0x38;
	[tilespmem:$0xFFA0] =	vst v63  }
0x3e: {  	_ =	swait.ge [sflag:s12], $0x50  }
0x3f: {  	[sflag:s12] =	ssyncset.done $0x0  }
0x40: {  	[sflag:s12] =	ssyncadd.s32 $0xFFFFFFB0  }
0x41: {  	[tilespmem:s14], [sflag:$0x1] =	stream.indirect.gather [hbm4b:s4+s13], $0x30, s3, s13, $0xb8;
	[tilespmem:$0xFFA0] =	vst v63  }
0x42: {  	_ =	swait.ge [sflag:s15], $0xF00  }
0x43: {  	[sflag:s15] =	ssyncset.done $0x0  }
0x44: {  	[sflag:s15] =	ssyncadd.s32 $0xFFFFF100  }
0x45: {  	[spmem:s2] =	stream.indirect.scatter.add.f32 [tilespmem:s14], [sflag:$0x2], $0x30, s13, s13, $0xb8;
	[tilespmem:$0xFFA0] =	vst v63  }
0x46: {  	_ =	swait.ge [sflag:s12], $0xF00  }
0x47: {  	[sflag:s12] =	ssyncset.done $0x0  }
0x48: {  	[sflag:s12] =	ssyncadd.s32 $0xFFFFF100  }
0x49: {  	[bflag:$0x0] =	sbarrier.arrive $0xFFFF  }
0x4a: {  	[tilespmem:s11], [sflag:$0x2] =	stream.linear.gather [spmem:s6], $0x7800, $0x38;
	[tilespmem:$0xFFA0] =	vst v63  }
0x4b: {  	s16 =	sadd.s32 $0x1, s16;
	_ =	swait.ge [sflag:s12], $0x7800  }
0x4c: {  	p0 =	sne.s32 s16, s8;
	[sflag:s12] =	ssyncset.done $0x0  }
.Ltmp1:
0x4d: {  	[sflag:s12] =	ssyncadd.s32 $0xFFFF8800;
	(pc) =	sbr.rel @p0 .LBB2_1-.Ltmp1, $4  }
0x4e: {  	[hbm4b:s7+s3] =	stream.linear.scatter [tilespmem:s11], [sflag:$0x2], $0x7800, $0x38;
	[tilespmem:$0xFFA0] =	vst v63  }
0x4f: {  	_ =	swait.ge [sflag:s12], $0x7800  }
0x50: {  	[sflag:s12] =	ssyncset.done $0x0  }
0x51: {  	[sflag:s12] =	ssyncadd.s32 $0xFFFF8800  }
0x52: {  	_ =	sfence.sel $0x180000  }
0x53: {  	[bflag:$0x0] =	sbarrier.arrive $0xFFFF  }
0x54: {  	p0 =	sne.s32 s0, $0x0;
	_ =	strace $0x9000004A  }
0x55: {  	s0 =	sadd.s32 @!p0 $0x100000, s1;
	[bflag:$0x2] =	sbarrier.arrive $0xFFFF  }
0x56: {  	[sflag:s0] =	ssyncadd.tile.s32 @!p0 $0x1;
	_ =	shalt  }
.Lfunc_end2:
_tile_overlayer_lowered:
.L_overlay_start_2:
0x57: {  	(tag) =	ssettag $0x2  }
0x58: {  	s0 =	rddreg [dreg:$0x0];
	s2 =	stileid.u32  }
0x59: {  	s1 =	rddreg [dreg:$0x1];
	p0 =	sne.s32 s2, $0x0  }
0x5a: {  	s3 =	rddreg [dreg:$0x2];
	[bflag:$0x3] =	sbarrier.arrive $0xFFFF;
	s2 =	simm.s32 @!p0 $0x1C02  }
0x5b: {  	[timem:s3], [sflag:s2] =	dma.local @!p0 [hbm:s0], s1  }
0x5c: {  	s0 =	simm.s32 @!p0 $0x2  }
0x5d: {  	_ =	swait.ge @!p0 [sflag:s0], s1  }
0x5e: {  	s1 =	ssub.s32 @!p0 $0x0, s1;
	[sflag:s0] =	ssyncset.done @!p0 $0x0  }
0x5f: {  	[sflag:s0] =	ssyncadd.s32 @!p0 s1  }
0x60: {  	[bflag:$0x3] =	sbarrier.arrive $0xFFFF  }
0x61: {  	_ =	shalt  }

// kernel: kernel.7.cloned.1.call-start
scs
__scs_entry_jumppad:
0x0: {  	(pc) =	sbr.rel $0x88, $3  }
0x1: {  	(tag) =	ssettag $0x0;
	lr =	simm.s32 $0x1  }
0x2: {  	[smem:$0x3F99] =	sst lr;
	_ =	strace $0xD0000000  }
0x3: {  	_ = 	snop  }
0x4: {  	_ = 	snop  }
0x5: {  	_ = 	snop  }
0x6: {  	_ = 	snop  }
0x7: {  	_ = 	snop  }
__scs_overlays_trampoline_lowered:
0x8: {  	[smem:$0x3FA8] =	sst s0  }
0x9: {  	[smem:$0x3FA9] =	sst s1  }
0xa: {  	[smem:$0x3FAA] =	sst s2  }
0xb: {  	[smem:$0x3FAB] =	sst s3  }
0xc: {  	[smem:$0x3FAC] =	sst s4  }
0xd: {  	[smem:$0x3FAD] =	sst s5  }
0xe: {  	[smem:$0x3FAE] =	sst s6  }
0xf: {  	[smem:$0x3FAF] =	sst s7  }
0x10: {  	[smem:$0x3FB0] =	sst s8  }
0x11: {  	[smem:$0x3FB1] =	sst s9;
	s0 =	simm.s32 @!p0 $0x0  }
0x12: {  	s1 =	sld [smem:$0x3F97];
	s0 =	simm.s32 @p0 $0x1  }
0x13: {  	[smem:$0x3FB2] =	sst s0;
	s0 =	simm.s32 @!p1 $0x0  }
0x14: {  	s2 =	sld [smem:$0x3F96];
	s0 =	simm.s32 @p1 $0x1  }
0x15: {  	[smem:$0x3FB3] =	sst s0;
	s0 =	simm.s32 @!p2 $0x0  }
0x16: {  	s3 =	sld [smem:$0x3FDB];
	s0 =	simm.s32 @p2 $0x1  }
0x17: {  	s4 =	simm.s32 $0x1BF5;
	[smem:$0x3FB5] =	sst s0  }
0x18: {  	s0 =	sld [smem:$0x3F98];
	_ =	swait.ge [sflag:s4], $0x0  }
0x19: {  	s7 =	sld [smem:$0x3F99]  }
0x1a: {  	s8 =	sadd.s32 $0xFFFFE003, lr  }
0x1b: {  	s9 =	sadd.s32 $0xFFFFFEF7, lr;
	s5 =	simm.s32 $0xFFFFFFFF;
	p2 =	slt.u32 s8, $0xFFFFF086  }
0x1c: {  	p1 =	slt.u32 s9, $0xF7A;
	s5 =	simm.s32 @!p2 $0x0  }
0x1d: {  	s5 =	simm.s32 @p1 $0x1;
	p0 =	seq.s32 s7, s2  }
0x1e: {  	s7 =	smul.u32 @!p0 $0xF7A, s2;
	p2 =	seq.s32 @!p0 s5, $0x0  }
0x1f: {  	s9 =	smul.u32 $0xF7A, s1;
	s8 =	simm.s32 @!p0 $0x1BF5;
	p2 =	por !p2, p0  }
0x20: {  	[sflag:s8] =	ssyncset.s32 @!p0 $0xFFFFF086;
	s6 =	sadd.s32 @!p0 s3, s7;
	s7 =	simm.s32 @!p0 $0x108  }
0x21: {  	s3 =	sadd.s32 s3, s9;
	s6 =	sadd.s32 @!p0 $0x88, s6;
	s7 =	simm.s32 @p2 $0x1082  }
0x22: {  	[simem:s7], [sflag:s8] =	dma.local @!p0 [hbm:s6], $0xF7A  }
0x23: {  	s9 =	sor.u32 $0xD0000000, s2;
	s6 =	simm.s32 $0x108;
	_ =	swait.ge @!p0 [sflag:s8], $0x0  }
0x24: {  	s3 =	sadd.s32 $0x88, s3;
	s6 =	simm.s32 @!p1 $0x1082;
	[sflag:s4] =	ssyncset.s32 $0xFFFFF086  }
0x25: {  	[simem:s6], [sflag:s4] =	dma.local [hbm:s3], $0xF7A  }
0x26: {  	[smem:$0x3F99] =	sst s1;
	(tag) =	ssettag s2;
	_ =	strace s9  }
0x27: {  	s1 =	sld [smem:$0x3FA9]  }
0x28: {  	s2 =	sld [smem:$0x3FAA]  }
0x29: {  	s4 =	sld [smem:$0x3FAC]  }
0x2a: {  	p0 =	seq.s32 s5, $0x0;
	s5 =	sld [smem:$0x3FAD]  }
0x2b: {  	s6 =	sld [smem:$0x3FAE]  }
0x2c: {  	s7 =	sld [smem:$0x3FAF]  }
0x2d: {  	s3 =	simm.s32 $0x108;
	s8 =	sld [smem:$0x3FB0]  }
0x2e: {  	s3 =	simm.s32 @!p0 $0x1082;
	s9 =	sld [smem:$0x3FB1]  }
0x2f: {  	lr =	sadd.s32 s0, s3;
	s0 =	sld [smem:$0x3FA8]  }
0x30: {  	s3 =	sld [smem:$0x3FAB]  }
0x31: {  	[smem:$0x3FB4] =	sst s10  }
0x32: {  	s10 =	sld [smem:$0x3FB2];
	_ =	sdelay $0x3  }
0x33: {  	p0 =	seq.s32 s10, $0x1;
	s10 =	sld [smem:$0x3FB4];
	_ =	sdelay $0x3  }
0x34: {  	[smem:$0x3FB4] =	sst s10  }
0x35: {  	s10 =	sld [smem:$0x3FB3];
	_ =	sdelay $0x3  }
0x36: {  	p1 =	seq.s32 s10, $0x1;
	s10 =	sld [smem:$0x3FB4];
	_ =	sdelay $0x3  }
0x37: {  	[smem:$0x3FB4] =	sst s10  }
0x38: {  	s10 =	sld [smem:$0x3FB5]  }
0x39: {  	_ = 	snop;
	(pc) =	sbr.ind lr, $3  }
0x3a: {  	_ = 	snop  }
0x3b: {  	_ = 	snop  }
0x3c: {  	p2 =	seq.s32 s10, $0x1;
	s10 =	sld [smem:$0x3FB4]  }
0x3d: {  	_ =	shalt  }
0x3e: {  	_ =	shalt  }
0x3f: {  	_ =	shalt  }
0x40: {  	_ =	shalt  }
0x41: {  	_ =	shalt  }
0x42: {  	_ =	shalt  }
0x43: {  	_ =	shalt  }
0x44: {  	_ =	shalt  }
0x45: {  	_ =	shalt  }
0x46: {  	_ =	shalt  }
0x47: {  	_ =	shalt  }
0x48: {  	_ =	shalt  }
0x49: {  	_ =	shalt  }
0x4a: {  	_ =	shalt  }
0x4b: {  	_ =	shalt  }
0x4c: {  	_ =	shalt  }
0x4d: {  	_ =	shalt  }
0x4e: {  	_ =	shalt  }
0x4f: {  	_ =	shalt  }
0x50: {  	_ =	shalt  }
0x51: {  	_ =	shalt  }
0x52: {  	_ =	shalt  }
0x53: {  	_ =	shalt  }
0x54: {  	_ =	shalt  }
0x55: {  	_ =	shalt  }
0x56: {  	_ =	shalt  }
0x57: {  	_ =	shalt  }
0x58: {  	_ =	shalt  }
0x59: {  	_ =	shalt  }
0x5a: {  	_ =	shalt  }
0x5b: {  	_ =	shalt  }
0x5c: {  	_ =	shalt  }
0x5d: {  	_ =	shalt  }
0x5e: {  	_ =	shalt  }
0x5f: {  	_ =	shalt  }
0x60: {  	_ =	shalt  }
0x61: {  	_ =	shalt  }
0x62: {  	_ =	shalt  }
0x63: {  	_ =	shalt  }
0x64: {  	_ =	shalt  }
0x65: {  	_ =	shalt  }
0x66: {  	_ =	shalt  }
0x67: {  	_ =	shalt  }
0x68: {  	_ =	shalt  }
0x69: {  	_ =	shalt  }
0x6a: {  	_ =	shalt  }
0x6b: {  	_ =	shalt  }
0x6c: {  	_ =	shalt  }
0x6d: {  	_ =	shalt  }
0x6e: {  	_ =	shalt  }
0x6f: {  	_ =	shalt  }
0x70: {  	_ =	shalt  }
0x71: {  	_ =	shalt  }
0x72: {  	_ =	shalt  }
0x73: {  	_ =	shalt  }
0x74: {  	_ =	shalt  }
0x75: {  	_ =	shalt  }
0x76: {  	_ =	shalt  }
0x77: {  	_ =	shalt  }
0x78: {  	_ =	shalt  }
0x79: {  	_ =	shalt  }
0x7a: {  	_ =	shalt  }
0x7b: {  	_ =	shalt  }
0x7c: {  	_ =	shalt  }
0x7d: {  	_ =	shalt  }
0x7e: {  	_ =	shalt  }
0x7f: {  	_ =	shalt  }
0x80: {  	_ =	shalt  }
0x81: {  	_ =	shalt  }
0x82: {  	_ =	shalt  }
0x83: {  	_ =	shalt  }
0x84: {  	_ =	shalt  }
0x85: {  	_ =	shalt  }
0x86: {  	_ =	shalt  }
0x87: {  	_ =	shalt  }
.Lfunc_end0:
.L_simem_size_0:
called_computation_lowered:
.L_overlay_start_0:
0x88: {  	s2 =	sld [smem:$0x3FD9]  }
0x89: {  	s3 =	sld [smem:$0x3FFE];
	_ =	sdelay $0x1  }
0x8a: {  	s1 =	srdreg.scid  }
0x8b: {  	s0 =	sand.u32 $0x1, s1  }
0x8c: {  	s17 =	sshll.u32 s0, $0xA;
	s2 =	sadd.s32 s3, s2  }
0x8d: {  	s2 =	sadd.s32 s2, s17  }
0x8e: {  	[smem:$0x3FC0] =	sst s2  }
0x8f: {  	_ = 	snop  }
0x90: {  	s2 =	sld [smem:$0x3FD0];
	(tm) =	ssettm $0x1  }
0x91: {  	s18 =	sld [smem:$0x3FFB];
	_ =	sdelay $0x3  }
0x92: {  	_ =	strace s18  }
0x93: {  	s3 =	sld [smem:$0x3FFC];
	_ =	sdelay $0x3  }
0x94: {  	_ =	strace s3  }
0x95: {  	s3 =	sld [smem:$0x3FFD];
	_ =	sdelay $0x3  }
0x96: {  	_ =	strace s3  }
0x97: {  	_ =	strace $0x8FFFFFFF  }
0x98: {  	s19 =	sld [smem:$0x3FDB];
	_ =	sdelay $0x1  }
0x99: {  	s4 =	simm.s32 $_scs_section_size  }
0x9a: {  	s5 =	simm.s32 $_size__tile_overlayer_lowered;
	s6 =	simm.s32 $_tile_overlayer_lowered  }
0x9b: {  	s22 =	simm.s32 $0x1BFF;
	s21 =	sshll.u32 s6, $0x1;
	s3 =	sadd.s32 s4, s19  }
0x9c: {  	s7 =	simm.s32 $0x0;
	s20 =	sshll.u32 s5, $0x1;
	s5 =	sadd.s32 s21, s3  }
0x9d: {  	[timem:s7], [sflag:s22] =	dma.local [hbm:s5], s20  }
0x9e: {  	_ =	swait.ge [sflag:s22], s20  }
0x9f: {  	s4 =	ssub.s32 $0x0, s20;
	[sflag:s22] =	ssyncset.done $0x0  }
0xa0: {  	[sflag:s22] =	ssyncadd.s32 s4;
	_ =	sdelay $0x1  }
0xa1: {  	s23 =	simm.s32 $0x1B8B  }
0xa2: {  	_ =	swait.ge [sflag:s23], $0x1  }
0xa3: {  	[sflag:s23] =	ssyncset.done $0x0  }
0xa4: {  	s25 =	simm.s32 $0x1B8E;
	s24 =	sld [smem:$0x3FFE];
	[sflag:s23] =	ssyncadd.s32 $0xFFFFFFFF  }
0xa5: {  	s26 =	simm.s32 $execute0_lowered;
	[smem:$0x3FD2] =	sst s25  }
0xa6: {  	s5 =	sshll.u32 s26, $0x1;
	_ =	strace $0x80000046;
	[dreg:$0x1] =	wrdreg $0xFFFFFFFF  }
0xa7: {  	s28 =	simm.s32 $_size_execute0_lowered;
	s3 =	sadd.s32 s3, s5;
	[dreg:$0x0] =	wrdreg $0x0  }
0xa8: {  	s5 =	sshll.u32 s28, $0x1;
	[dreg:$0x2] =	wrdreg s3  }
0xa9: {  	[dreg:$0x3] =	wrdreg s5  }
0xaa: {  	[dreg:$0x4] =	wrdreg $0xC0  }
0xab: {  	_ =	task [dreg:s7], $0x5FFFF  }
0xac: {  	[dreg:$0x1] =	wrdreg $0xFFFFFFFF  }
0xad: {  	[dreg:$0x0] =	wrdreg $0x60  }
0xae: {  	[dreg:$0x2] =	wrdreg s24  }
0xaf: {  	[dreg:$0x3] =	wrdreg s2  }
0xb0: {  	[dreg:$0x4] =	wrdreg $0xB4A00  }
0xb1: {  	[dreg:$0x5] =	wrdreg $0x181A00  }
0xb2: {  	[dreg:$0x6] =	wrdreg $0x9  }
0xb3: {  	_ =	task.clear_ibuf [dreg:s7], $0x7FFFF;
	_ =	strace $0x90000046  }
0xb4: {  	s29 =	simm.s32 $0x9;
	_ =	strace $0x80000048  }
0xb5: {  	_ =	swait.ge [sflag:s29], $0x1  }
0xb6: {  	[sflag:s29] =	ssyncadd.s32 $0xFFFFFFFF  }
0xb7: {  	_ =	strace $0x90000048  }
0xb8: {  	_ =	sfence  }
0xb9: {  	s30 =	sld [smem:$0x0];
	_ =	sdelay $0x2  }
0xba: {  	s31 =	sshll.u32 s1, $0xD;
	s1 =	sshrl.u32 s1, $0x2  }
0xbb: {  	s3 =	sand.u32 $0x4000, s31;
	s1 =	sadd.s32 s1, s30  }
0xbc: {  	s0 =	sor.u32 s3, s0;
	s1 =	sshll.u32 s1, $0x11  }
0xbd: {  	s0 =	sor.u32 s1, s0  }
0xbe: {  	s0 =	sadd.s32 $0x8F2B, s0  }
0xbf: {  	[sflag:s0] =	ssyncadd.remote.s32 $0x1  }
0xc0: {  	_ =	sfence.sel $0xFFFF  }
0xc1: {  	[dreg:$0x0] =	wrdreg $0xFFFFFFFF;
	(pc) =	sbr.abs _section_cstart, $3  }
0xc2: {  	[dreg:$0x1] =	wrdreg $0xFFFFFFFF  }
0xc3: {  	_ =	task.clear_ibuf [dreg:s7], $0x2FFFF;
	_ =	strace $0x9FFFFFFF  }
0xc4: {  	(tm) =	ssettm $0x7FFFFFFF  }
0xc5: {  	_ =	shalt  }
tec
execute0_lowered:
.L_overlay_start_1:
0x0: {  	(tag) =	ssettag $0x1  }
0x1: {  	s13 =	rddreg [dreg:$0x0]  }
0x2: {  	s14 =	rddreg [dreg:$0x1]  }
0x3: {  	s2 =	rddreg [dreg:$0x2]  }
0x4: {  	s3 =	rddreg [dreg:$0x3];
	s1 =	stileid.u32  }
0x5: {  	s4 =	simm.s32 $0x0;
	s5 =	srdreg.scid;
	s19 =	simm.s32 $0x1E00  }
0x6: {  	s21 =	simm.s32 $0x50;
	s22 =	simm.s32 $0xA0;
	s23 =	simm.s32 $0x1  }
0x7: {  	s24 =	simm.s32 $0x0;
	s15 =	smul.u32 $0x9C4, s1;
	[smem:$0x7FF] =	sst s4  }
0x8: {  	s20 =	sand.u32 $0x1, s5;
	s8 =	smul.u32 $0xA000, s1;
	s5 =	sadd.s32 $0x33000, s13  }
0x9: {  	s6 =	sadd.s32 $0x34400, s13;
	s10 =	smul.u32 $0x2800, s1;
	s7 =	sadd.s32 $0x34A00, s13  }
0xa: {  	_ =	strace $0x80000047;
	s9 =	smul.u32 $0xA0000, s20;
	s11 =	ssub.s32 $0x2, s20  }
0xb: {  	p0 =	seq.s32 s20, $0x0;
	s16 =	sadd.s32 s15, s13;
	s12 =	sshrl.u32 s10, $0x3  }
0xc: {  	s17 =	sshrl.u32 s11, $0x1;
	s19 =	simm.s32 @!p0 $0x15800;
	s14 =	sadd.s32 s15, s14  }
0xd: {  	p0 =	sne.s32 s20, $0x0;
	s20 =	simm.s32 $0x3;
	s9 =	sadd.s32 s8, s9  }
0xe: {  	s12 =	sadd.s32 s12, s13;
	s17 =	ssub.s32 s11, s17;
	s8 =	sadd.s32 s8, s2  }
0xf: {  	s15 =	sadd.s32 $0x29200, s16;
	s16 =	simm.s32 $0x14A0;
	s9 =	sshrl.u32 s9, $0x3  }
0x10: {  	s11 =	sadd.s32 $0x5CC00, s12;
	s12 =	smax.u32 s17, $0x1;
	s17 =	simm.s32 $0x2  }
0x11: {  	s18 =	sadd.s32 s9, s13;
	s9 =	sadd.s32 s10, s3;
	s13 =	sadd.s32 s19, s13  }
0x12: {  	s19 =	simm.s32 $0x159A0;
	s10 =	sadd.s32 $0x34C00, s18;
	s18 =	simm.s32 $0x154A0  }
.LBB2_1:
0x13: {  	[tilespmem:s16], [sflag:$0x2] =	stream.linear.gather [hbm4b:s5+s4], $0xA000, $0x38;
	[tilespmem:$0x1A9A0] =	vst v63  }
0x14: {  	_ =	swait.ge [sflag:s17], $0xA000  }
0x15: {  	[sflag:s17] =	ssyncset.done $0x0  }
0x16: {  	[sflag:s17] =	ssyncadd.s32 $0xFFFF6000  }
0x17: {  	[spmem:s8] =	stream.linear.scatter [tilespmem:s16], [sflag:$0x2], $0xA000, $0x38;
	[tilespmem:$0x1A9A0] =	vst v63  }
0x18: {  	_ =	swait.ge [sflag:s17], $0xA000  }
0x19: {  	[sflag:s17] =	ssyncset.done $0x0  }
0x1a: {  	[sflag:s17] =	ssyncadd.s32 $0xFFFF6000  }
0x1b: {  	[tilespmem:s18], [sflag:$0x2] =	stream.linear.gather [hbm4b:s7+s4], $0x500, $0x38;
	[tilespmem:$0x1A9A0] =	vst v63  }
0x1c: {  	_ =	swait.ge [sflag:s17], $0x500  }
0x1d: {  	[sflag:s17] =	ssyncset.done $0x0  }
0x1e: {  	[sflag:s17] =	ssyncadd.s32 $0xFFFFFB00  }
0x1f: {  	[tilespmem:s19], [sflag:$0x2] =	stream.linear.gather [hbm4b:s6+s4], $0x2800, $0x38;
	[tilespmem:$0x1A9A0] =	vst v63  }
0x20: {  	_ =	swait.ge [sflag:s17], $0x2800  }
0x21: {  	[sflag:s17] =	ssyncset.done $0x0  }
0x22: {  	[sflag:s17] =	ssyncadd.s32 $0xFFFFD800  }
0x23: {  	[spmem:s9] =	stream.linear.scatter [tilespmem:s19], [sflag:$0x2], $0x2800, $0x38;
	[tilespmem:$0x1A9A0] =	vst v63  }
0x24: {  	_ =	swait.ge [sflag:s17], $0x2800  }
0x25: {  	[sflag:s17] =	ssyncset.done $0x0  }
0x26: {  	[sflag:s17] =	ssyncadd.s32 $0xFFFFD800  }
0x27: {  	s25 =	sadd.s32 $0x0, s15;
	[bflag:$0x0] =	sbarrier.arrive $0xFFFF  }
0x28: {  	[tilespmem:s4], [sflag:$0x3] =	stream.linear.gather [hbm4b:s25+s4], $0x50, $0x38;
	[tilespmem:$0x1A9A0] =	vst v63  }
0x29: {  	_ =	swait.ge [sflag:s20], $0x50  }
0x2a: {  	[sflag:s20] =	ssyncset.done $0x0  }
0x2b: {  	s31 =	sadd.s32 $0x0, s14;
	[sflag:s20] =	ssyncadd.s32 $0xFFFFFFB0  }
0x2c: {  	[tilespmem:s21], [sflag:$0x3] =	stream.linear.gather [hbm4b:s31+s4], $0x50, $0x38;
	[tilespmem:$0x1A9A0] =	vst v63  }
0x2d: {  	_ =	swait.ge [sflag:s20], $0x50  }
0x2e: {  	[sflag:s20] =	ssyncset.done $0x0  }
0x2f: {  	[sflag:s20] =	ssyncadd.s32 $0xFFFFFFB0  }
0x30: {  	[tilespmem:s22], [sflag:$0x1] =	stream.indirect.gather [hbm4b:s13+s21], $0x40, s4, s21, $0xb8;
	[tilespmem:$0x1A9A0] =	vst v63  }
0x31: {  	_ =	swait.ge [sflag:s23], $0x1400  }
0x32: {  	[sflag:s23] =	ssyncset.done $0x0  }
0x33: {  	[sflag:s23] =	ssyncadd.s32 $0xFFFFEC00  }
0x34: {  	[spmem:s2] =	stream.indirect.scatter.add.f32 [tilespmem:s22], [sflag:$0x3], $0x40, s21, s21, $0xb8;
	[tilespmem:$0x1A9A0] =	vst v63  }
0x35: {  	_ =	swait.ge [sflag:s20], $0x1400  }
0x36: {  	s28 =	simm.s32 @!p0 $0x50;
	[sflag:s20] =	ssyncset.done $0x0  }
0x37: {  	s29 =	simm.s32 @!p0 $0x154A0;
	s25 =	simm.s32 @!p0 $0x2;
	[sflag:s20] =	ssyncadd.s32 $0xFFFFEC00  }
0x38: {  	[spmem:s3] =	stream.indirect.scatter.add.f32 @!p0 [tilespmem:s29], [sflag:$0x2], $0x10, s28, s28, $0xb8;
	[tilespmem:$0x1A9A0] =	vst v63  }
0x39: {  	_ =	swait.ge @!p0 [sflag:s25], $0x500  }
0x3a: {  	s26 =	simm.s32 $0xA;
	s30 =	simm.s32 $0x14;
	[sflag:s25] =	ssyncset.done @!p0 $0x0  }
.LBB2_2:
0x3b: {  	s31 =	sadd.s32 s26, s15  }
0x3c: {  	[sflag:s25] =	ssyncadd.s32 @!p0 $0xFFFFFB00;
	s0 =	smov.u32 s30;
	s30 =	sadd.s32 $0xA, s30  }
0x3d: {  	[tilespmem:s4], [sflag:$0x3] =	stream.linear.gather [hbm4b:s31+s4], $0x50, $0x38;
	[tilespmem:$0x1A9A0] =	vst v63  }
0x3e: {  	p1 =	sne.s32 s30, $0x9C4;
	_ =	swait.ge [sflag:s20], $0x50  }
0x3f: {  	[sflag:s20] =	ssyncset.done $0x0  }
0x40: {  	s31 =	sadd.s32 s26, s14;
	s26 =	smov.u32 s0;
	[sflag:s20] =	ssyncadd.s32 $0xFFFFFFB0  }
0x41: {  	[tilespmem:s21], [sflag:$0x3] =	stream.linear.gather [hbm4b:s31+s4], $0x50, $0x38;
	[tilespmem:$0x1A9A0] =	vst v63  }
0x42: {  	_ =	swait.ge [sflag:s20], $0x50  }
0x43: {  	[sflag:s20] =	ssyncset.done $0x0  }
0x44: {  	[sflag:s20] =	ssyncadd.s32 $0xFFFFFFB0  }
0x45: {  	[tilespmem:s22], [sflag:$0x1] =	stream.indirect.gather [hbm4b:s13+s21], $0x40, s4, s21, $0xb8;
	[tilespmem:$0x1A9A0] =	vst v63  }
0x46: {  	_ =	swait.ge [sflag:s23], $0x1400  }
0x47: {  	[sflag:s23] =	ssyncset.done $0x0  }
0x48: {  	[sflag:s23] =	ssyncadd.s32 $0xFFFFEC00  }
0x49: {  	[spmem:s2] =	stream.indirect.scatter.add.f32 [tilespmem:s22], [sflag:$0x3], $0x40, s21, s21, $0xb8;
	[tilespmem:$0x1A9A0] =	vst v63  }
0x4a: {  	_ =	swait.ge [sflag:s20], $0x1400  }
.Ltmp0:
0x4b: {  	[sflag:s20] =	ssyncset.done $0x0;
	(pc) =	sbr.rel @p1 .LBB2_2-.Ltmp0, $4  }
0x4c: {  	[sflag:s20] =	ssyncadd.s32 $0xFFFFEC00  }
0x4d: {  	[spmem:s3] =	stream.indirect.scatter.add.f32 @!p0 [tilespmem:s29], [sflag:$0x2], $0x10, s28, s28, $0xb8;
	[tilespmem:$0x1A9A0] =	vst v63  }
0x4e: {  	_ =	swait.ge @!p0 [sflag:s25], $0x500  }
0x4f: {  	[sflag:s25] =	ssyncset.done @!p0 $0x0  }
0x50: {  	s0 =	sadd.s32 s26, s15;
	[sflag:s25] =	ssyncadd.s32 @!p0 $0xFFFFFB00  }
0x51: {  	[tilespmem:s4], [sflag:$0x3] =	stream.linear.gather [hbm4b:s0+s4], $0x50, $0x38;
	[tilespmem:$0x1A9A0] =	vst v63  }
0x52: {  	_ =	swait.ge [sflag:s20], $0x50  }
0x53: {  	[sflag:s20] =	ssyncset.done $0x0  }
0x54: {  	s31 =	sadd.s32 s26, s14;
	[sflag:s20] =	ssyncadd.s32 $0xFFFFFFB0  }
0x55: {  	[tilespmem:s21], [sflag:$0x3] =	stream.linear.gather [hbm4b:s31+s4], $0x50, $0x38;
	[tilespmem:$0x1A9A0] =	vst v63  }
0x56: {  	_ =	swait.ge [sflag:s20], $0x50  }
0x57: {  	[sflag:s20] =	ssyncset.done $0x0  }
0x58: {  	[sflag:s20] =	ssyncadd.s32 $0xFFFFFFB0  }
0x59: {  	[tilespmem:s22], [sflag:$0x1] =	stream.indirect.gather [hbm4b:s13+s21], $0x40, s4, s21, $0xb8;
	[tilespmem:$0x1A9A0] =	vst v63  }
0x5a: {  	_ =	swait.ge [sflag:s23], $0x1400  }
0x5b: {  	[sflag:s23] =	ssyncset.done $0x0  }
0x5c: {  	[sflag:s23] =	ssyncadd.s32 $0xFFFFEC00  }
0x5d: {  	[spmem:s2] =	stream.indirect.scatter.add.f32 [tilespmem:s22], [sflag:$0x3], $0x40, s21, s21, $0xb8;
	[tilespmem:$0x1A9A0] =	vst v63  }
0x5e: {  	_ =	swait.ge [sflag:s20], $0x1400  }
0x5f: {  	s25 =	simm.s32 @!p0 $0x50;
	[sflag:s20] =	ssyncset.done $0x0  }
0x60: {  	s26 =	simm.s32 @!p0 $0x154A0;
	s0 =	simm.s32 @!p0 $0x2;
	[sflag:s20] =	ssyncadd.s32 $0xFFFFEC00  }
0x61: {  	[spmem:s3] =	stream.indirect.scatter.add.f32 @!p0 [tilespmem:s26], [sflag:$0x2], $0x10, s25, s25, $0xb8;
	[tilespmem:$0x1A9A0] =	vst v63  }
0x62: {  	_ =	swait.ge @!p0 [sflag:s0], $0x500  }
0x63: {  	[sflag:s0] =	ssyncset.done @!p0 $0x0  }
0x64: {  	[sflag:s0] =	ssyncadd.s32 @!p0 $0xFFFFFB00  }
0x65: {  	[bflag:$0x0] =	sbarrier.arrive $0xFFFF  }
0x66: {  	[tilespmem:s16], [sflag:$0x2] =	stream.linear.gather [spmem:s8], $0xA000, $0x38;
	[tilespmem:$0x1A9A0] =	vst v63  }
0x67: {  	_ =	swait.ge [sflag:s17], $0xA000  }
0x68: {  	[sflag:s17] =	ssyncset.done $0x0  }
0x69: {  	[sflag:s17] =	ssyncadd.s32 $0xFFFF6000  }
0x6a: {  	[hbm4b:s10+s4] =	stream.linear.scatter [tilespmem:s16], [sflag:$0x2], $0xA000, $0x38;
	[tilespmem:$0x1A9A0] =	vst v63  }
0x6b: {  	_ =	swait.ge [sflag:s17], $0xA000  }
0x6c: {  	[sflag:s17] =	ssyncset.done $0x0  }
0x6d: {  	s25 =	simm.s32 @!p0 $0x159A0;
	[sflag:s17] =	ssyncadd.s32 $0xFFFF6000  }
0x6e: {  	[tilespmem:s25], [sflag:$0x2] =	stream.linear.gather @!p0 [spmem:s9], $0x2800, $0x38;
	[tilespmem:$0x1A9A0] =	vst v63  }
0x6f: {  	s24 =	sadd.s32 $0x1, s24;
	_ =	swait.ge @!p0 [sflag:s0], $0x2800  }
0x70: {  	p1 =	sne.s32 s24, s12;
	[sflag:s0] =	ssyncset.done @!p0 $0x0  }
.Ltmp1:
0x71: {  	s26 =	simm.s32 @!p0 $0x0;
	[sflag:s0] =	ssyncadd.s32 @!p0 $0xFFFFD800;
	(pc) =	sbr.rel @p1 .LBB2_1-.Ltmp1, $4  }
0x72: {  	[hbm4b:s11+s26] =	stream.linear.scatter @!p0 [tilespmem:s25], [sflag:$0x2], $0x2800, $0x38;
	[tilespmem:$0x1A9A0] =	vst v63  }
0x73: {  	_ =	swait.ge @!p0 [sflag:s0], $0x2800  }
0x74: {  	[sflag:s0] =	ssyncset.done @!p0 $0x0  }
0x75: {  	[sflag:s0] =	ssyncadd.s32 @!p0 $0xFFFFD800  }
0x76: {  	_ =	sfence.sel $0x180000  }
0x77: {  	[bflag:$0x0] =	sbarrier.arrive $0xFFFF  }
0x78: {  	_ =	strace $0x90000047  }
0x79: {  	[bflag:$0x2] =	sbarrier.arrive $0xFFFF  }
0x7a: {  	p0 =	sne.s32 s1, $0x0;
	s0 =	rddreg [dreg:$0x4]  }
0x7b: {  	s0 =	sadd.s32 @!p0 $0x100000, s0  }
0x7c: {  	[sflag:s0] =	ssyncadd.tile.s32 @!p0 $0x1;
	_ =	shalt  }
.Lfunc_end2:
_tile_overlayer_lowered:
.L_overlay_start_2:
0x7d: {  	(tag) =	ssettag $0x2  }
0x7e: {  	s0 =	rddreg [dreg:$0x0];
	s2 =	stileid.u32  }
0x7f: {  	s1 =	rddreg [dreg:$0x1];
	p0 =	sne.s32 s2, $0x0  }
0x80: {  	s3 =	rddreg [dreg:$0x2];
	[bflag:$0x3] =	sbarrier.arrive $0xFFFF;
	s2 =	simm.s32 @!p0 $0x1C02  }
0x81: {  	[timem:s3], [sflag:s2] =	dma.local @!p0 [hbm:s0], s1  }
0x82: {  	s0 =	simm.s32 @!p0 $0x2  }
0x83: {  	_ =	swait.ge @!p0 [sflag:s0], s1  }
0x84: {  	s1 =	ssub.s32 @!p0 $0x0, s1;
	[sflag:s0] =	ssyncset.done @!p0 $0x0  }
0x85: {  	[sflag:s0] =	ssyncadd.s32 @!p0 s1  }
0x86: {  	[bflag:$0x3] =	sbarrier.arrive $0xFFFF  }
0x87: {  	_ =	shalt  }

</sc_bundles>
